<compile_context>
chip_gen: v7x
topology: tpu7x:2x2x1
jax: 0.10.2.dev20260603
libtpu: 0.0.44.dev20260713+nightly
codegen_flags: <defaults>
</compile_context>

<pallas_src>
import functools

import jax
import jax.numpy as jnp
from jax import lax
from jax.experimental import pallas as pl
from jax.experimental.pallas import tpu as pltpu
from jax.experimental.pallas import tpu_sc as plsc

_NC = 2
_NS = 16
_NW = _NC * _NS


@functools.lru_cache(maxsize=None)
def _build_sc_gather(B, NEG, D):
    T = NEG + 1
    TAIL = T * B
    TPW = (T - 1) * B // _NW
    C = 64
    NBUF = 8
    NITER = TPW // (NBUF * C)
    XPW = B // _NW
    HPW = B // _NW
    assert (T - 1) * B % _NW == 0 and TPW % (NBUF * C) == 0 and B % _NW == 0

    mesh = plsc.VectorSubcoreMesh(core_axis_name="c", subcore_axis_name="s")
    f32 = jnp.float32

    @functools.partial(
        pl.kernel,
        mesh=mesh,
        out_type=[
            jax.ShapeDtypeStruct((TAIL, D), f32),
            jax.ShapeDtypeStruct((TAIL, D), f32),
            jax.ShapeDtypeStruct((TAIL, D), f32),
            jax.ShapeDtypeStruct((B, D), f32),
            jax.ShapeDtypeStruct((B, D), f32),
            jax.ShapeDtypeStruct((B, D), f32),
            jax.ShapeDtypeStruct((B, D), f32),
            jax.ShapeDtypeStruct((B, D), f32),
            jax.ShapeDtypeStruct((B, D), f32),
        ],
        scratch_types=(
            [pltpu.VMEM((TPW,), jnp.int32)]
            + [pltpu.VMEM((C, D), f32) for _ in range(NBUF)]
            + [pltpu.VMEM((XPW,), jnp.int32),
               pltpu.VMEM((HPW,), jnp.int32),
               pltpu.VMEM((HPW,), jnp.int32)]
            + [pltpu.VMEM((HPW, D), f32) for _ in range(6)]
            + [pltpu.SemaphoreType.DMA for _ in range(2 * NBUF + 2)]
        ),
    )
    def sc_gather(tail_idx, head_idx, rel_idx, e1, e2, r1, r2,
                  tail1, tail2a, tail2b, head1, head2a, head2b,
                  rel1, rel2a, rel2b,
                  idx_v, *rest):
        bufs = rest[:NBUF]
        xidx, hidx, ridx = rest[NBUF:NBUF + 3]
        xb1, xb2, hb1, hb2, rb1, rb2 = rest[NBUF + 3:NBUF + 9]
        gs = rest[NBUF + 9:2 * NBUF + 9]
        ws = rest[2 * NBUF + 9:3 * NBUF + 9]
        sg, sw = rest[3 * NBUF + 9], rest[3 * NBUF + 10]
        wid = lax.axis_index("s") * _NC + lax.axis_index("c")
        base = wid * TPW

        xoff = (T - 1) * B + wid * XPW
        hbase = wid * HPW
        pltpu.async_copy(tail_idx.at[pl.ds(xoff, XPW)], xidx, sg)
        pltpu.async_copy(head_idx.at[pl.ds(hbase, HPW)], hidx, sg)
        pltpu.async_copy(rel_idx.at[pl.ds(hbase, HPW)], ridx, sg)
        for _ in range(3):
            pltpu.make_async_copy(tail_idx.at[pl.ds(0, XPW)], xidx, sg).wait()
        small = ((e1, xidx, xb1), (e2, xidx, xb2),
                 (e1, hidx, hb1), (e2, hidx, hb2),
                 (r1, ridx, rb1), (r2, ridx, rb2))
        for tab, ix, bf in small:
            pltpu.async_copy(tab.at[ix], bf, sg)

        pltpu.sync_copy(tail_idx.at[pl.ds(base, TPW)], idx_v)

        def run_table(tab, outs):
            for b in range(NBUF):
                pltpu.async_copy(tab.at[idx_v.at[pl.ds(b * C, C)]], bufs[b], gs[b])

            def body(i, carry):
                for b in range(NBUF):
                    off = (NBUF * i + b) * C
                    pltpu.make_async_copy(
                        tab.at[idx_v.at[pl.ds(0, C)]], bufs[b], gs[b]).wait()
                    for o in outs:
                        pltpu.async_copy(bufs[b], o.at[pl.ds(base + off, C)], ws[b])
                for b in range(NBUF):
                    @pl.when(i < NITER - 1)
                    def _(i=i, b=b):
                        for o in outs:
                            pltpu.make_async_copy(
                                bufs[b], outs[0].at[pl.ds(base, C)], ws[b]).wait()
                        pltpu.async_copy(
                            tab.at[idx_v.at[pl.ds((NBUF * i + b + NBUF) * C, C)]],
                            bufs[b], gs[b])
                return carry

            lax.fori_loop(0, NITER, body, 0)
            for b in range(NBUF):
                for o in outs:
                    pltpu.make_async_copy(
                        bufs[b], outs[0].at[pl.ds(base, C)], ws[b]).wait()

        run_table(e2, (tail2a, tail2b))
        run_table(e1, (tail1,))

        for _ in small:
            pltpu.make_async_copy(e1.at[xidx], xb1, sg).wait()
        writes = ((xb1, tail1, xoff), (xb2, tail2a, xoff), (xb2, tail2b, xoff),
                  (hb1, head1, hbase), (hb2, head2a, hbase), (hb2, head2b, hbase),
                  (rb1, rel1, hbase), (rb2, rel2a, hbase), (rb2, rel2b, hbase))
        for bf, o, off in writes:
            pltpu.async_copy(bf, o.at[pl.ds(off, HPW)], sw)
        for _ in writes:
            pltpu.make_async_copy(xb1, tail1.at[pl.ds(xoff, HPW)], sw).wait()

    return sc_gather


def kernel(positive, negative, PT_entity_embedding, PT_relation_embedding,
           PT_entity_embedding2, PT_relation_embedding2):
    B, NEG = negative.shape
    D = PT_entity_embedding.shape[1]
    T = NEG + 1
    tail_idx = jnp.concatenate(
        [positive[:, 2:3], negative], axis=1).T.reshape(-1).astype(jnp.int32)
    head_idx = positive[:, 0].astype(jnp.int32)
    rel_idx = positive[:, 1].astype(jnp.int32)

    f = _build_sc_gather(B, NEG, D)
    (tail1, tail2a, tail2b, head1, head2a, head2b,
     rel1, rel2a, rel2b) = f(
        tail_idx, head_idx, rel_idx,
        PT_entity_embedding, PT_entity_embedding2,
        PT_relation_embedding, PT_relation_embedding2)

    def as_tail(x):
        return x.reshape(T, B, D).transpose(1, 0, 2)

    def as_one(x):
        return x.reshape(B, 1, D)

    return (as_one(head2a), as_one(rel2a), as_tail(tail2a),
            as_one(head1), as_one(rel1), as_tail(tail1),
            as_one(head2b), as_one(rel2b), as_tail(tail2b))

# --- scband reference (transcript-rebuilt; emitter-appended) ---
"""Pipeline reference for scband-kdmanager-reverse-2-kge-1511828488480 (READ-ONLY COPY).

The authoritative reference and input builder live on the scoring server;
editing this copy changes nothing except your own understanding.
"""

import jax, jax.numpy as jnp
import numpy as np

NUM_ENT = 100000
NUM_REL = 500
ENT_DIM = 128
REL_DIM = 128
BATCH = 1024
NEG = 256

def setup_inputs(seed: int = 0) -> dict:
    key = jax.random.key(seed)
    k1, k2, k3, k4, k5, k6 = jax.random.split(key, 6)
    positive = jax.random.randint(k1, (BATCH, 3), 0, NUM_REL, dtype=jnp.int64) if jax.config.jax_enable_x64 else jax.random.randint(k1, (BATCH, 3), 0, NUM_REL).astype(jnp.int32)
    negative = jax.random.randint(k2, (BATCH, NEG), 0, NUM_ENT).astype(positive.dtype)
    PT_entity_embedding = jax.random.normal(k3, (NUM_ENT, ENT_DIM), dtype=jnp.float32)
    PT_relation_embedding = jax.random.normal(k4, (NUM_REL, REL_DIM), dtype=jnp.float32)
    PT_entity_embedding2 = jax.random.normal(k5, (NUM_ENT, ENT_DIM), dtype=jnp.float32)
    PT_relation_embedding2 = jax.random.normal(k6, (NUM_REL, REL_DIM), dtype=jnp.float32)
    return {
        'positive': positive,
        'negative': negative,
        'PT_entity_embedding': PT_entity_embedding,
        'PT_relation_embedding': PT_relation_embedding,
        'PT_entity_embedding2': PT_entity_embedding2,
        'PT_relation_embedding2': PT_relation_embedding2,
    }

def _entity_extract(entity_embedding, positive, negative):
    batch_size, neg_size = negative.shape
    neg_tail = jnp.take(entity_embedding, negative.reshape(-1), axis=0).reshape(batch_size, neg_size, -1)
    pos_tail = jnp.take(entity_embedding, positive[:, 2], axis=0)[:, None, :]
    tail = jnp.concatenate((pos_tail, neg_tail), axis=1)
    head = jnp.take(entity_embedding, positive[:, 0], axis=0)[:, None, :]
    return head, tail

def _relation_extract(relation_embedding, positive):
    return jnp.take(relation_embedding, positive[:, 1], axis=0)[:, None, :]

def reference(positive, negative, PT_entity_embedding, PT_relation_embedding, PT_entity_embedding2, PT_relation_embedding2):
    PT_head1, PT_tail1 = _entity_extract(PT_entity_embedding, positive, negative)
    PT_head2, PT_tail2 = _entity_extract(PT_entity_embedding2, positive, negative)
    PT_relation1 = _relation_extract(PT_relation_embedding, positive)
    PT_relation2 = _relation_extract(PT_relation_embedding2, positive)
    return (PT_head2, PT_relation2, PT_tail2, PT_head1, PT_relation1, PT_tail1, PT_head2, PT_relation2, PT_tail2)

if __name__ == "__main__":
    import jax
    _d = setup_inputs()
    print(jax.jit(kernel)(*tuple(_d.values())))

</pallas_src>

<mosaic_0001>
#map = affine_map<(d0, d1) -> (0)>
#map1 = affine_map<(d0, d1) -> (0, 0)>
module attributes {stable_mosaic.version = 14 : i64} {
  func.func @sc_gather(%arg0: i32, %arg1: i32, %arg2: memref<263168xi32, #tpu.memory_space<hbm>>, %arg3: memref<1024xi32, #tpu.memory_space<hbm>>, %arg4: memref<1024xi32, #tpu.memory_space<hbm>>, %arg5: memref<100000x128xf32, #tpu.memory_space<hbm>>, %arg6: memref<100000x128xf32, #tpu.memory_space<hbm>>, %arg7: memref<500x128xf32, #tpu.memory_space<hbm>>, %arg8: memref<500x128xf32, #tpu.memory_space<hbm>>, %arg9: memref<263168x128xf32, #tpu.memory_space<hbm>>, %arg10: memref<263168x128xf32, #tpu.memory_space<hbm>>, %arg11: memref<263168x128xf32, #tpu.memory_space<hbm>>, %arg12: memref<1024x128xf32, #tpu.memory_space<hbm>>, %arg13: memref<1024x128xf32, #tpu.memory_space<hbm>>, %arg14: memref<1024x128xf32, #tpu.memory_space<hbm>>, %arg15: memref<1024x128xf32, #tpu.memory_space<hbm>>, %arg16: memref<1024x128xf32, #tpu.memory_space<hbm>>, %arg17: memref<1024x128xf32, #tpu.memory_space<hbm>>, %arg18: memref<8192xi32, #tpu.memory_space<vmem>>, %arg19: memref<64x128xf32, #tpu.memory_space<vmem>>, %arg20: memref<64x128xf32, #tpu.memory_space<vmem>>, %arg21: memref<64x128xf32, #tpu.memory_space<vmem>>, %arg22: memref<64x128xf32, #tpu.memory_space<vmem>>, %arg23: memref<64x128xf32, #tpu.memory_space<vmem>>, %arg24: memref<64x128xf32, #tpu.memory_space<vmem>>, %arg25: memref<64x128xf32, #tpu.memory_space<vmem>>, %arg26: memref<64x128xf32, #tpu.memory_space<vmem>>, %arg27: memref<32xi32, #tpu.memory_space<vmem>>, %arg28: memref<32xi32, #tpu.memory_space<vmem>>, %arg29: memref<32xi32, #tpu.memory_space<vmem>>, %arg30: memref<32x128xf32, #tpu.memory_space<vmem>>, %arg31: memref<32x128xf32, #tpu.memory_space<vmem>>, %arg32: memref<32x128xf32, #tpu.memory_space<vmem>>, %arg33: memref<32x128xf32, #tpu.memory_space<vmem>>, %arg34: memref<32x128xf32, #tpu.memory_space<vmem>>, %arg35: memref<32x128xf32, #tpu.memory_space<vmem>>, %arg36: memref<!tpu.dma_semaphore, #tpu.memory_space<semaphore_mem>>, %arg37: memref<!tpu.dma_semaphore, #tpu.memory_space<semaphore_mem>>, %arg38: memref<!tpu.dma_semaphore, #tpu.memory_space<semaphore_mem>>, %arg39: memref<!tpu.dma_semaphore, #tpu.memory_space<semaphore_mem>>, %arg40: memref<!tpu.dma_semaphore, #tpu.memory_space<semaphore_mem>>, %arg41: memref<!tpu.dma_semaphore, #tpu.memory_space<semaphore_mem>>, %arg42: memref<!tpu.dma_semaphore, #tpu.memory_space<semaphore_mem>>, %arg43: memref<!tpu.dma_semaphore, #tpu.memory_space<semaphore_mem>>, %arg44: memref<!tpu.dma_semaphore, #tpu.memory_space<semaphore_mem>>, %arg45: memref<!tpu.dma_semaphore, #tpu.memory_space<semaphore_mem>>, %arg46: memref<!tpu.dma_semaphore, #tpu.memory_space<semaphore_mem>>, %arg47: memref<!tpu.dma_semaphore, #tpu.memory_space<semaphore_mem>>, %arg48: memref<!tpu.dma_semaphore, #tpu.memory_space<semaphore_mem>>, %arg49: memref<!tpu.dma_semaphore, #tpu.memory_space<semaphore_mem>>, %arg50: memref<!tpu.dma_semaphore, #tpu.memory_space<semaphore_mem>>, %arg51: memref<!tpu.dma_semaphore, #tpu.memory_space<semaphore_mem>>, %arg52: memref<!tpu.dma_semaphore, #tpu.memory_space<semaphore_mem>>, %arg53: memref<!tpu.dma_semaphore, #tpu.memory_space<semaphore_mem>>) attributes {dimension_semantics = [#tpu.dimension_semantics<core_parallel>, #tpu.dimension_semantics<subcore_parallel>], iteration_bounds = array<i64: 2, 16>, scalar_prefetch = 0 : i64, scratch_operands = 36 : i64, tpu.core_type = #tpu.core_type<sc_vector_subcore>, window_params = [{transform_indices = #map}, {transform_indices = #map}, {transform_indices = #map}, {transform_indices = #map1}, {transform_indices = #map1}, {transform_indices = #map1}, {transform_indices = #map1}, {transform_indices = #map1}, {transform_indices = #map1}, {transform_indices = #map1}, {transform_indices = #map1}, {transform_indices = #map1}, {transform_indices = #map1}, {transform_indices = #map1}, {transform_indices = #map1}, {transform_indices = #map1}]} {
    %mul3A = arith.constant 2 : i32
    %mul3A_0 = arith.muli %arg1, %mul3A : i32
    %add3A = arith.addi %mul3A_0, %arg0 : i32
    %mul3A_1 = arith.constant 8192 : i32
    %mul3A_2 = arith.muli %add3A, %mul3A_1 : i32
    %mul3A_3 = arith.constant 32 : i32
    %mul3A_4 = arith.muli %add3A, %mul3A_3 : i32
    %add3A_5 = arith.constant 262144 : i32
    %add3A_6 = arith.addi %add3A_5, %mul3A_4 : i32
    %mul3A_7 = arith.constant 32 : i32
    %mul3A_8 = arith.muli %add3A, %mul3A_7 : i32
    %dma_start3A = tpu.memref_slice %arg2[%add3A_6] : memref<263168xi32, #tpu.memory_space<hbm>> -> memref<32xi32, #tpu.memory_space<hbm>>
    %dma_start3A_9 = tpu.memref_slice %arg2[%add3A_6] : memref<263168xi32, #tpu.memory_space<hbm>> -> memref<32xi32, #tpu.memory_space<hbm>>
    tpu.enqueue_dma source(%dma_start3A_9 : memref<32xi32, #tpu.memory_space<hbm>>) target(%arg27 : memref<32xi32, #tpu.memory_space<vmem>>) target_semaphore(%arg52 : memref<!tpu.dma_semaphore, #tpu.memory_space<semaphore_mem>>)
    %dma_start3A_10 = tpu.memref_slice %arg3[%mul3A_8] : memref<1024xi32, #tpu.memory_space<hbm>> -> memref<32xi32, #tpu.memory_space<hbm>>
    %dma_start3A_11 = tpu.memref_slice %arg3[%mul3A_8] : memref<1024xi32, #tpu.memory_space<hbm>> -> memref<32xi32, #tpu.memory_space<hbm>>
    tpu.enqueue_dma source(%dma_start3A_11 : memref<32xi32, #tpu.memory_space<hbm>>) target(%arg28 : memref<32xi32, #tpu.memory_space<vmem>>) target_semaphore(%arg52 : memref<!tpu.dma_semaphore, #tpu.memory_space<semaphore_mem>>)
    %dma_start3A_12 = tpu.memref_slice %arg4[%mul3A_8] : memref<1024xi32, #tpu.memory_space<hbm>> -> memref<32xi32, #tpu.memory_space<hbm>>
    %dma_start3A_13 = tpu.memref_slice %arg4[%mul3A_8] : memref<1024xi32, #tpu.memory_space<hbm>> -> memref<32xi32, #tpu.memory_space<hbm>>
    tpu.enqueue_dma source(%dma_start3A_13 : memref<32xi32, #tpu.memory_space<hbm>>) target(%arg29 : memref<32xi32, #tpu.memory_space<vmem>>) target_semaphore(%arg52 : memref<!tpu.dma_semaphore, #tpu.memory_space<semaphore_mem>>)
    %dma_wait3A = arith.constant 0 : i32
    %dma_wait3A_14 = tpu.memref_slice %arg2[%dma_wait3A] : memref<263168xi32, #tpu.memory_space<hbm>> -> memref<32xi32, #tpu.memory_space<hbm>>
    %dma_wait3A_15 = arith.constant 0 : i32
    %dma_wait3A_16 = tpu.memref_slice %arg2[%dma_wait3A_15] : memref<263168xi32, #tpu.memory_space<hbm>> -> memref<32xi32, #tpu.memory_space<hbm>>
    tpu.wait_dma2 semaphore(%arg52 : memref<!tpu.dma_semaphore, #tpu.memory_space<semaphore_mem>>) src(%dma_wait3A_16 : memref<32xi32, #tpu.memory_space<hbm>>) dst(%arg27 : memref<32xi32, #tpu.memory_space<vmem>>)
    %dma_wait3A_17 = arith.constant 0 : i32
    %dma_wait3A_18 = tpu.memref_slice %arg2[%dma_wait3A_17] : memref<263168xi32, #tpu.memory_space<hbm>> -> memref<32xi32, #tpu.memory_space<hbm>>
    %dma_wait3A_19 = arith.constant 0 : i32
    %dma_wait3A_20 = tpu.memref_slice %arg2[%dma_wait3A_19] : memref<263168xi32, #tpu.memory_space<hbm>> -> memref<32xi32, #tpu.memory_space<hbm>>
    tpu.wait_dma2 semaphore(%arg52 : memref<!tpu.dma_semaphore, #tpu.memory_space<semaphore_mem>>) src(%dma_wait3A_20 : memref<32xi32, #tpu.memory_space<hbm>>) dst(%arg27 : memref<32xi32, #tpu.memory_space<vmem>>)
    %dma_wait3A_21 = arith.constant 0 : i32
    %dma_wait3A_22 = tpu.memref_slice %arg2[%dma_wait3A_21] : memref<263168xi32, #tpu.memory_space<hbm>> -> memref<32xi32, #tpu.memory_space<hbm>>
    %dma_wait3A_23 = arith.constant 0 : i32
    %dma_wait3A_24 = tpu.memref_slice %arg2[%dma_wait3A_23] : memref<263168xi32, #tpu.memory_space<hbm>> -> memref<32xi32, #tpu.memory_space<hbm>>
    tpu.wait_dma2 semaphore(%arg52 : memref<!tpu.dma_semaphore, #tpu.memory_space<semaphore_mem>>) src(%dma_wait3A_24 : memref<32xi32, #tpu.memory_space<hbm>>) dst(%arg27 : memref<32xi32, #tpu.memory_space<vmem>>)
    %dma_start3A_25 = arith.constant 0 : i32
    %dma_start3A_26 = arith.constant 0 : i32
    %dma_start3A_27 = tpu.memref_slice %arg5[%dma_start3A_25, %dma_start3A_26] : memref<100000x128xf32, #tpu.memory_space<hbm>> -> memref<100000x128xf32, #tpu.memory_space<hbm>>
    tpu.enqueue_indirect_dma source(%dma_start3A_27 : memref<100000x128xf32, #tpu.memory_space<hbm>>) target(%arg30 : memref<32x128xf32, #tpu.memory_space<vmem>>) offsets(%arg27 : memref<32xi32, #tpu.memory_space<vmem>>) semaphore(%arg52 : memref<!tpu.dma_semaphore, #tpu.memory_space<semaphore_mem>>)
    %dma_start3A_28 = arith.constant 0 : i32
    %dma_start3A_29 = arith.constant 0 : i32
    %dma_start3A_30 = tpu.memref_slice %arg6[%dma_start3A_28, %dma_start3A_29] : memref<100000x128xf32, #tpu.memory_space<hbm>> -> memref<100000x128xf32, #tpu.memory_space<hbm>>
    tpu.enqueue_indirect_dma source(%dma_start3A_30 : memref<100000x128xf32, #tpu.memory_space<hbm>>) target(%arg31 : memref<32x128xf32, #tpu.memory_space<vmem>>) offsets(%arg27 : memref<32xi32, #tpu.memory_space<vmem>>) semaphore(%arg52 : memref<!tpu.dma_semaphore, #tpu.memory_space<semaphore_mem>>)
    %dma_start3A_31 = arith.constant 0 : i32
    %dma_start3A_32 = arith.constant 0 : i32
    %dma_start3A_33 = tpu.memref_slice %arg5[%dma_start3A_31, %dma_start3A_32] : memref<100000x128xf32, #tpu.memory_space<hbm>> -> memref<100000x128xf32, #tpu.memory_space<hbm>>
    tpu.enqueue_indirect_dma source(%dma_start3A_33 : memref<100000x128xf32, #tpu.memory_space<hbm>>) target(%arg32 : memref<32x128xf32, #tpu.memory_space<vmem>>) offsets(%arg28 : memref<32xi32, #tpu.memory_space<vmem>>) semaphore(%arg52 : memref<!tpu.dma_semaphore, #tpu.memory_space<semaphore_mem>>)
    %dma_start3A_34 = arith.constant 0 : i32
    %dma_start3A_35 = arith.constant 0 : i32
    %dma_start3A_36 = tpu.memref_slice %arg6[%dma_start3A_34, %dma_start3A_35] : memref<100000x128xf32, #tpu.memory_space<hbm>> -> memref<100000x128xf32, #tpu.memory_space<hbm>>
    tpu.enqueue_indirect_dma source(%dma_start3A_36 : memref<100000x128xf32, #tpu.memory_space<hbm>>) target(%arg33 : memref<32x128xf32, #tpu.memory_space<vmem>>) offsets(%arg28 : memref<32xi32, #tpu.memory_space<vmem>>) semaphore(%arg52 : memref<!tpu.dma_semaphore, #tpu.memory_space<semaphore_mem>>)
    %dma_start3A_37 = arith.constant 0 : i32
    %dma_start3A_38 = arith.constant 0 : i32
    %dma_start3A_39 = tpu.memref_slice %arg7[%dma_start3A_37, %dma_start3A_38] : memref<500x128xf32, #tpu.memory_space<hbm>> -> memref<500x128xf32, #tpu.memory_space<hbm>>
    tpu.enqueue_indirect_dma source(%dma_start3A_39 : memref<500x128xf32, #tpu.memory_space<hbm>>) target(%arg34 : memref<32x128xf32, #tpu.memory_space<vmem>>) offsets(%arg29 : memref<32xi32, #tpu.memory_space<vmem>>) semaphore(%arg52 : memref<!tpu.dma_semaphore, #tpu.memory_space<semaphore_mem>>)
    %dma_start3A_40 = arith.constant 0 : i32
    %dma_start3A_41 = arith.constant 0 : i32
    %dma_start3A_42 = tpu.memref_slice %arg8[%dma_start3A_40, %dma_start3A_41] : memref<500x128xf32, #tpu.memory_space<hbm>> -> memref<500x128xf32, #tpu.memory_space<hbm>>
    tpu.enqueue_indirect_dma source(%dma_start3A_42 : memref<500x128xf32, #tpu.memory_space<hbm>>) target(%arg35 : memref<32x128xf32, #tpu.memory_space<vmem>>) offsets(%arg29 : memref<32xi32, #tpu.memory_space<vmem>>) semaphore(%arg52 : memref<!tpu.dma_semaphore, #tpu.memory_space<semaphore_mem>>)
    "tpu.region"() ({
      %run_scoped3A = tpu.sem_alloc : memref<!tpu.dma_semaphore, #tpu.memory_space<semaphore_mem>>
      %dma_start3A_320 = tpu.memref_slice %arg2[%mul3A_2] : memref<263168xi32, #tpu.memory_space<hbm>> -> memref<8192xi32, #tpu.memory_space<hbm>>
      %dma_start3A_321 = tpu.memref_slice %arg2[%mul3A_2] : memref<263168xi32, #tpu.memory_space<hbm>> -> memref<8192xi32, #tpu.memory_space<hbm>>
      tpu.enqueue_dma source(%dma_start3A_321 : memref<8192xi32, #tpu.memory_space<hbm>>) target(%arg18 : memref<8192xi32, #tpu.memory_space<vmem>>) target_semaphore(%run_scoped3A : memref<!tpu.dma_semaphore, #tpu.memory_space<semaphore_mem>>)
      %dma_wait3A_322 = tpu.memref_slice %arg2[%mul3A_2] : memref<263168xi32, #tpu.memory_space<hbm>> -> memref<8192xi32, #tpu.memory_space<hbm>>
      %dma_wait3A_323 = tpu.memref_slice %arg2[%mul3A_2] : memref<263168xi32, #tpu.memory_space<hbm>> -> memref<8192xi32, #tpu.memory_space<hbm>>
      tpu.wait_dma2 semaphore(%run_scoped3A : memref<!tpu.dma_semaphore, #tpu.memory_space<semaphore_mem>>) src(%dma_wait3A_323 : memref<8192xi32, #tpu.memory_space<hbm>>) dst(%arg18 : memref<8192xi32, #tpu.memory_space<vmem>>)
      tpu.yield
    }) : () -> ()
    %dma_start3A_43 = arith.constant 0 : i32
    %dma_start3A_44 = tpu.memref_slice %arg18[%dma_start3A_43] : memref<8192xi32, #tpu.memory_space<vmem>> -> memref<64xi32, #tpu.memory_space<vmem>>
    %dma_start3A_45 = arith.constant 0 : i32
    %dma_start3A_46 = arith.constant 0 : i32
    %dma_start3A_47 = tpu.memref_slice %arg6[%dma_start3A_45, %dma_start3A_46] : memref<100000x128xf32, #tpu.memory_space<hbm>> -> memref<100000x128xf32, #tpu.memory_space<hbm>>
    tpu.enqueue_indirect_dma source(%dma_start3A_47 : memref<100000x128xf32, #tpu.memory_space<hbm>>) target(%arg19 : memref<64x128xf32, #tpu.memory_space<vmem>>) offsets(%dma_start3A_44 : memref<64xi32, #tpu.memory_space<vmem>>) semaphore(%arg36 : memref<!tpu.dma_semaphore, #tpu.memory_space<semaphore_mem>>)
    %dma_start3A_48 = arith.constant 64 : i32
    %dma_start3A_49 = tpu.memref_slice %arg18[%dma_start3A_48] : memref<8192xi32, #tpu.memory_space<vmem>> -> memref<64xi32, #tpu.memory_space<vmem>>
    %dma_start3A_50 = arith.constant 0 : i32
    %dma_start3A_51 = arith.constant 0 : i32
    %dma_start3A_52 = tpu.memref_slice %arg6[%dma_start3A_50, %dma_start3A_51] : memref<100000x128xf32, #tpu.memory_space<hbm>> -> memref<100000x128xf32, #tpu.memory_space<hbm>>
    tpu.enqueue_indirect_dma source(%dma_start3A_52 : memref<100000x128xf32, #tpu.memory_space<hbm>>) target(%arg20 : memref<64x128xf32, #tpu.memory_space<vmem>>) offsets(%dma_start3A_49 : memref<64xi32, #tpu.memory_space<vmem>>) semaphore(%arg37 : memref<!tpu.dma_semaphore, #tpu.memory_space<semaphore_mem>>)
    %dma_start3A_53 = arith.constant 128 : i32
    %dma_start3A_54 = tpu.memref_slice %arg18[%dma_start3A_53] : memref<8192xi32, #tpu.memory_space<vmem>> -> memref<64xi32, #tpu.memory_space<vmem>>
    %dma_start3A_55 = arith.constant 0 : i32
    %dma_start3A_56 = arith.constant 0 : i32
    %dma_start3A_57 = tpu.memref_slice %arg6[%dma_start3A_55, %dma_start3A_56] : memref<100000x128xf32, #tpu.memory_space<hbm>> -> memref<100000x128xf32, #tpu.memory_space<hbm>>
    tpu.enqueue_indirect_dma source(%dma_start3A_57 : memref<100000x128xf32, #tpu.memory_space<hbm>>) target(%arg21 : memref<64x128xf32, #tpu.memory_space<vmem>>) offsets(%dma_start3A_54 : memref<64xi32, #tpu.memory_space<vmem>>) semaphore(%arg38 : memref<!tpu.dma_semaphore, #tpu.memory_space<semaphore_mem>>)
    %dma_start3A_58 = arith.constant 192 : i32
    %dma_start3A_59 = tpu.memref_slice %arg18[%dma_start3A_58] : memref<8192xi32, #tpu.memory_space<vmem>> -> memref<64xi32, #tpu.memory_space<vmem>>
    %dma_start3A_60 = arith.constant 0 : i32
    %dma_start3A_61 = arith.constant 0 : i32
    %dma_start3A_62 = tpu.memref_slice %arg6[%dma_start3A_60, %dma_start3A_61] : memref<100000x128xf32, #tpu.memory_space<hbm>> -> memref<100000x128xf32, #tpu.memory_space<hbm>>
    tpu.enqueue_indirect_dma source(%dma_start3A_62 : memref<100000x128xf32, #tpu.memory_space<hbm>>) target(%arg22 : memref<64x128xf32, #tpu.memory_space<vmem>>) offsets(%dma_start3A_59 : memref<64xi32, #tpu.memory_space<vmem>>) semaphore(%arg39 : memref<!tpu.dma_semaphore, #tpu.memory_space<semaphore_mem>>)
    %dma_start3A_63 = arith.constant 256 : i32
    %dma_start3A_64 = tpu.memref_slice %arg18[%dma_start3A_63] : memref<8192xi32, #tpu.memory_space<vmem>> -> memref<64xi32, #tpu.memory_space<vmem>>
    %dma_start3A_65 = arith.constant 0 : i32
    %dma_start3A_66 = arith.constant 0 : i32
    %dma_start3A_67 = tpu.memref_slice %arg6[%dma_start3A_65, %dma_start3A_66] : memref<100000x128xf32, #tpu.memory_space<hbm>> -> memref<100000x128xf32, #tpu.memory_space<hbm>>
    tpu.enqueue_indirect_dma source(%dma_start3A_67 : memref<100000x128xf32, #tpu.memory_space<hbm>>) target(%arg23 : memref<64x128xf32, #tpu.memory_space<vmem>>) offsets(%dma_start3A_64 : memref<64xi32, #tpu.memory_space<vmem>>) semaphore(%arg40 : memref<!tpu.dma_semaphore, #tpu.memory_space<semaphore_mem>>)
    %dma_start3A_68 = arith.constant 320 : i32
    %dma_start3A_69 = tpu.memref_slice %arg18[%dma_start3A_68] : memref<8192xi32, #tpu.memory_space<vmem>> -> memref<64xi32, #tpu.memory_space<vmem>>
    %dma_start3A_70 = arith.constant 0 : i32
    %dma_start3A_71 = arith.constant 0 : i32
    %dma_start3A_72 = tpu.memref_slice %arg6[%dma_start3A_70, %dma_start3A_71] : memref<100000x128xf32, #tpu.memory_space<hbm>> -> memref<100000x128xf32, #tpu.memory_space<hbm>>
    tpu.enqueue_indirect_dma source(%dma_start3A_72 : memref<100000x128xf32, #tpu.memory_space<hbm>>) target(%arg24 : memref<64x128xf32, #tpu.memory_space<vmem>>) offsets(%dma_start3A_69 : memref<64xi32, #tpu.memory_space<vmem>>) semaphore(%arg41 : memref<!tpu.dma_semaphore, #tpu.memory_space<semaphore_mem>>)
    %dma_start3A_73 = arith.constant 384 : i32
    %dma_start3A_74 = tpu.memref_slice %arg18[%dma_start3A_73] : memref<8192xi32, #tpu.memory_space<vmem>> -> memref<64xi32, #tpu.memory_space<vmem>>
    %dma_start3A_75 = arith.constant 0 : i32
    %dma_start3A_76 = arith.constant 0 : i32
    %dma_start3A_77 = tpu.memref_slice %arg6[%dma_start3A_75, %dma_start3A_76] : memref<100000x128xf32, #tpu.memory_space<hbm>> -> memref<100000x128xf32, #tpu.memory_space<hbm>>
    tpu.enqueue_indirect_dma source(%dma_start3A_77 : memref<100000x128xf32, #tpu.memory_space<hbm>>) target(%arg25 : memref<64x128xf32, #tpu.memory_space<vmem>>) offsets(%dma_start3A_74 : memref<64xi32, #tpu.memory_space<vmem>>) semaphore(%arg42 : memref<!tpu.dma_semaphore, #tpu.memory_space<semaphore_mem>>)
    %dma_start3A_78 = arith.constant 448 : i32
    %dma_start3A_79 = tpu.memref_slice %arg18[%dma_start3A_78] : memref<8192xi32, #tpu.memory_space<vmem>> -> memref<64xi32, #tpu.memory_space<vmem>>
    %dma_start3A_80 = arith.constant 0 : i32
    %dma_start3A_81 = arith.constant 0 : i32
    %dma_start3A_82 = tpu.memref_slice %arg6[%dma_start3A_80, %dma_start3A_81] : memref<100000x128xf32, #tpu.memory_space<hbm>> -> memref<100000x128xf32, #tpu.memory_space<hbm>>
    tpu.enqueue_indirect_dma source(%dma_start3A_82 : memref<100000x128xf32, #tpu.memory_space<hbm>>) target(%arg26 : memref<64x128xf32, #tpu.memory_space<vmem>>) offsets(%dma_start3A_79 : memref<64xi32, #tpu.memory_space<vmem>>) semaphore(%arg43 : memref<!tpu.dma_semaphore, #tpu.memory_space<semaphore_mem>>)
    %scan3A = arith.constant 0 : i32
    %scan3A_83 = arith.constant 0 : i32
    %scan3A_84 = arith.constant 16 : i32
    %scan3A_85 = arith.addi %scan3A_83, %scan3A_84 : i32
    %scan3A_86 = arith.constant 1 : i32
    scf.for %scan3A_320 = %scan3A_83 to %scan3A_85 step %scan3A_86  : i32 {
      %mul3A_321 = arith.constant 8 : i32
      %mul3A_322 = arith.muli %mul3A_321, %scan3A_320 : i32
      %add3A_323 = arith.constant 0 : i32
      %add3A_324 = arith.addi %mul3A_322, %add3A_323 : i32
      %mul3A_325 = arith.constant 64 : i32
      %mul3A_326 = arith.muli %add3A_324, %mul3A_325 : i32
      %dma_wait3A_327 = arith.constant 0 : i32
      %dma_wait3A_328 = tpu.memref_slice %arg18[%dma_wait3A_327] : memref<8192xi32, #tpu.memory_space<vmem>> -> memref<64xi32, #tpu.memory_space<vmem>>
      %dma_wait3A_329 = arith.constant 0 : i32
      %dma_wait3A_330 = arith.constant 0 : i32
      %dma_wait3A_331 = tpu.memref_slice %arg6[%dma_wait3A_329, %dma_wait3A_330] : memref<100000x128xf32, #tpu.memory_space<hbm>> -> memref<100000x128xf32, #tpu.memory_space<hbm>>
      tpu.wait_indirect_dma semaphore(%arg36 : memref<!tpu.dma_semaphore, #tpu.memory_space<semaphore_mem>>) src(%dma_wait3A_331 : memref<100000x128xf32, #tpu.memory_space<hbm>>) dst(%arg19 : memref<64x128xf32, #tpu.memory_space<vmem>>)
      %add3A_332 = arith.addi %mul3A_2, %mul3A_326 : i32
      %dma_start3A_333 = arith.constant 0 : i32
      %dma_start3A_334 = tpu.memref_slice %arg10[%add3A_332, %dma_start3A_333] : memref<263168x128xf32, #tpu.memory_space<hbm>> -> memref<64x128xf32, #tpu.memory_space<hbm>>
      %dma_start3A_335 = arith.constant 0 : i32
      %dma_start3A_336 = tpu.memref_slice %arg10[%add3A_332, %dma_start3A_335] : memref<263168x128xf32, #tpu.memory_space<hbm>> -> memref<64x128xf32, #tpu.memory_space<hbm>>
      tpu.enqueue_dma source(%arg19 : memref<64x128xf32, #tpu.memory_space<vmem>>) target(%dma_start3A_336 : memref<64x128xf32, #tpu.memory_space<hbm>>) target_semaphore(%arg44 : memref<!tpu.dma_semaphore, #tpu.memory_space<semaphore_mem>>)
      %add3A_337 = arith.addi %mul3A_2, %mul3A_326 : i32
      %dma_start3A_338 = arith.constant 0 : i32
      %dma_start3A_339 = tpu.memref_slice %arg11[%add3A_337, %dma_start3A_338] : memref<263168x128xf32, #tpu.memory_space<hbm>> -> memref<64x128xf32, #tpu.memory_space<hbm>>
      %dma_start3A_340 = arith.constant 0 : i32
      %dma_start3A_341 = tpu.memref_slice %arg11[%add3A_337, %dma_start3A_340] : memref<263168x128xf32, #tpu.memory_space<hbm>> -> memref<64x128xf32, #tpu.memory_space<hbm>>
      tpu.enqueue_dma source(%arg19 : memref<64x128xf32, #tpu.memory_space<vmem>>) target(%dma_start3A_341 : memref<64x128xf32, #tpu.memory_space<hbm>>) target_semaphore(%arg44 : memref<!tpu.dma_semaphore, #tpu.memory_space<semaphore_mem>>)
      %mul3A_342 = arith.constant 8 : i32
      %mul3A_343 = arith.muli %mul3A_342, %scan3A_320 : i32
      %add3A_344 = arith.constant 1 : i32
      %add3A_345 = arith.addi %mul3A_343, %add3A_344 : i32
      %mul3A_346 = arith.constant 64 : i32
      %mul3A_347 = arith.muli %add3A_345, %mul3A_346 : i32
      %dma_wait3A_348 = arith.constant 0 : i32
      %dma_wait3A_349 = tpu.memref_slice %arg18[%dma_wait3A_348] : memref<8192xi32, #tpu.memory_space<vmem>> -> memref<64xi32, #tpu.memory_space<vmem>>
      %dma_wait3A_350 = arith.constant 0 : i32
      %dma_wait3A_351 = arith.constant 0 : i32
      %dma_wait3A_352 = tpu.memref_slice %arg6[%dma_wait3A_350, %dma_wait3A_351] : memref<100000x128xf32, #tpu.memory_space<hbm>> -> memref<100000x128xf32, #tpu.memory_space<hbm>>
      tpu.wait_indirect_dma semaphore(%arg37 : memref<!tpu.dma_semaphore, #tpu.memory_space<semaphore_mem>>) src(%dma_wait3A_352 : memref<100000x128xf32, #tpu.memory_space<hbm>>) dst(%arg20 : memref<64x128xf32, #tpu.memory_space<vmem>>)
      %add3A_353 = arith.addi %mul3A_2, %mul3A_347 : i32
      %dma_start3A_354 = arith.constant 0 : i32
      %dma_start3A_355 = tpu.memref_slice %arg10[%add3A_353, %dma_start3A_354] : memref<263168x128xf32, #tpu.memory_space<hbm>> -> memref<64x128xf32, #tpu.memory_space<hbm>>
      %dma_start3A_356 = arith.constant 0 : i32
      %dma_start3A_357 = tpu.memref_slice %arg10[%add3A_353, %dma_start3A_356] : memref<263168x128xf32, #tpu.memory_space<hbm>> -> memref<64x128xf32, #tpu.memory_space<hbm>>
      tpu.enqueue_dma source(%arg20 : memref<64x128xf32, #tpu.memory_space<vmem>>) target(%dma_start3A_357 : memref<64x128xf32, #tpu.memory_space<hbm>>) target_semaphore(%arg45 : memref<!tpu.dma_semaphore, #tpu.memory_space<semaphore_mem>>)
      %add3A_358 = arith.addi %mul3A_2, %mul3A_347 : i32
      %dma_start3A_359 = arith.constant 0 : i32
      %dma_start3A_360 = tpu.memref_slice %arg11[%add3A_358, %dma_start3A_359] : memref<263168x128xf32, #tpu.memory_space<hbm>> -> memref<64x128xf32, #tpu.memory_space<hbm>>
      %dma_start3A_361 = arith.constant 0 : i32
      %dma_start3A_362 = tpu.memref_slice %arg11[%add3A_358, %dma_start3A_361] : memref<263168x128xf32, #tpu.memory_space<hbm>> -> memref<64x128xf32, #tpu.memory_space<hbm>>
      tpu.enqueue_dma source(%arg20 : memref<64x128xf32, #tpu.memory_space<vmem>>) target(%dma_start3A_362 : memref<64x128xf32, #tpu.memory_space<hbm>>) target_semaphore(%arg45 : memref<!tpu.dma_semaphore, #tpu.memory_space<semaphore_mem>>)
      %mul3A_363 = arith.constant 8 : i32
      %mul3A_364 = arith.muli %mul3A_363, %scan3A_320 : i32
      %add3A_365 = arith.constant 2 : i32
      %add3A_366 = arith.addi %mul3A_364, %add3A_365 : i32
      %mul3A_367 = arith.constant 64 : i32
      %mul3A_368 = arith.muli %add3A_366, %mul3A_367 : i32
      %dma_wait3A_369 = arith.constant 0 : i32
      %dma_wait3A_370 = tpu.memref_slice %arg18[%dma_wait3A_369] : memref<8192xi32, #tpu.memory_space<vmem>> -> memref<64xi32, #tpu.memory_space<vmem>>
      %dma_wait3A_371 = arith.constant 0 : i32
      %dma_wait3A_372 = arith.constant 0 : i32
      %dma_wait3A_373 = tpu.memref_slice %arg6[%dma_wait3A_371, %dma_wait3A_372] : memref<100000x128xf32, #tpu.memory_space<hbm>> -> memref<100000x128xf32, #tpu.memory_space<hbm>>
      tpu.wait_indirect_dma semaphore(%arg38 : memref<!tpu.dma_semaphore, #tpu.memory_space<semaphore_mem>>) src(%dma_wait3A_373 : memref<100000x128xf32, #tpu.memory_space<hbm>>) dst(%arg21 : memref<64x128xf32, #tpu.memory_space<vmem>>)
      %add3A_374 = arith.addi %mul3A_2, %mul3A_368 : i32
      %dma_start3A_375 = arith.constant 0 : i32
      %dma_start3A_376 = tpu.memref_slice %arg10[%add3A_374, %dma_start3A_375] : memref<263168x128xf32, #tpu.memory_space<hbm>> -> memref<64x128xf32, #tpu.memory_space<hbm>>
      %dma_start3A_377 = arith.constant 0 : i32
      %dma_start3A_378 = tpu.memref_slice %arg10[%add3A_374, %dma_start3A_377] : memref<263168x128xf32, #tpu.memory_space<hbm>> -> memref<64x128xf32, #tpu.memory_space<hbm>>
      tpu.enqueue_dma source(%arg21 : memref<64x128xf32, #tpu.memory_space<vmem>>) target(%dma_start3A_378 : memref<64x128xf32, #tpu.memory_space<hbm>>) target_semaphore(%arg46 : memref<!tpu.dma_semaphore, #tpu.memory_space<semaphore_mem>>)
      %add3A_379 = arith.addi %mul3A_2, %mul3A_368 : i32
      %dma_start3A_380 = arith.constant 0 : i32
      %dma_start3A_381 = tpu.memref_slice %arg11[%add3A_379, %dma_start3A_380] : memref<263168x128xf32, #tpu.memory_space<hbm>> -> memref<64x128xf32, #tpu.memory_space<hbm>>
      %dma_start3A_382 = arith.constant 0 : i32
      %dma_start3A_383 = tpu.memref_slice %arg11[%add3A_379, %dma_start3A_382] : memref<263168x128xf32, #tpu.memory_space<hbm>> -> memref<64x128xf32, #tpu.memory_space<hbm>>
      tpu.enqueue_dma source(%arg21 : memref<64x128xf32, #tpu.memory_space<vmem>>) target(%dma_start3A_383 : memref<64x128xf32, #tpu.memory_space<hbm>>) target_semaphore(%arg46 : memref<!tpu.dma_semaphore, #tpu.memory_space<semaphore_mem>>)
      %mul3A_384 = arith.constant 8 : i32
      %mul3A_385 = arith.muli %mul3A_384, %scan3A_320 : i32
      %add3A_386 = arith.constant 3 : i32
      %add3A_387 = arith.addi %mul3A_385, %add3A_386 : i32
      %mul3A_388 = arith.constant 64 : i32
      %mul3A_389 = arith.muli %add3A_387, %mul3A_388 : i32
      %dma_wait3A_390 = arith.constant 0 : i32
      %dma_wait3A_391 = tpu.memref_slice %arg18[%dma_wait3A_390] : memref<8192xi32, #tpu.memory_space<vmem>> -> memref<64xi32, #tpu.memory_space<vmem>>
      %dma_wait3A_392 = arith.constant 0 : i32
      %dma_wait3A_393 = arith.constant 0 : i32
      %dma_wait3A_394 = tpu.memref_slice %arg6[%dma_wait3A_392, %dma_wait3A_393] : memref<100000x128xf32, #tpu.memory_space<hbm>> -> memref<100000x128xf32, #tpu.memory_space<hbm>>
      tpu.wait_indirect_dma semaphore(%arg39 : memref<!tpu.dma_semaphore, #tpu.memory_space<semaphore_mem>>) src(%dma_wait3A_394 : memref<100000x128xf32, #tpu.memory_space<hbm>>) dst(%arg22 : memref<64x128xf32, #tpu.memory_space<vmem>>)
      %add3A_395 = arith.addi %mul3A_2, %mul3A_389 : i32
      %dma_start3A_396 = arith.constant 0 : i32
      %dma_start3A_397 = tpu.memref_slice %arg10[%add3A_395, %dma_start3A_396] : memref<263168x128xf32, #tpu.memory_space<hbm>> -> memref<64x128xf32, #tpu.memory_space<hbm>>
      %dma_start3A_398 = arith.constant 0 : i32
      %dma_start3A_399 = tpu.memref_slice %arg10[%add3A_395, %dma_start3A_398] : memref<263168x128xf32, #tpu.memory_space<hbm>> -> memref<64x128xf32, #tpu.memory_space<hbm>>
      tpu.enqueue_dma source(%arg22 : memref<64x128xf32, #tpu.memory_space<vmem>>) target(%dma_start3A_399 : memref<64x128xf32, #tpu.memory_space<hbm>>) target_semaphore(%arg47 : memref<!tpu.dma_semaphore, #tpu.memory_space<semaphore_mem>>)
      %add3A_400 = arith.addi %mul3A_2, %mul3A_389 : i32
      %dma_start3A_401 = arith.constant 0 : i32
      %dma_start3A_402 = tpu.memref_slice %arg11[%add3A_400, %dma_start3A_401] : memref<263168x128xf32, #tpu.memory_space<hbm>> -> memref<64x128xf32, #tpu.memory_space<hbm>>
      %dma_start3A_403 = arith.constant 0 : i32
      %dma_start3A_404 = tpu.memref_slice %arg11[%add3A_400, %dma_start3A_403] : memref<263168x128xf32, #tpu.memory_space<hbm>> -> memref<64x128xf32, #tpu.memory_space<hbm>>
      tpu.enqueue_dma source(%arg22 : memref<64x128xf32, #tpu.memory_space<vmem>>) target(%dma_start3A_404 : memref<64x128xf32, #tpu.memory_space<hbm>>) target_semaphore(%arg47 : memref<!tpu.dma_semaphore, #tpu.memory_space<semaphore_mem>>)
      %mul3A_405 = arith.constant 8 : i32
      %mul3A_406 = arith.muli %mul3A_405, %scan3A_320 : i32
      %add3A_407 = arith.constant 4 : i32
      %add3A_408 = arith.addi %mul3A_406, %add3A_407 : i32
      %mul3A_409 = arith.constant 64 : i32
      %mul3A_410 = arith.muli %add3A_408, %mul3A_409 : i32
      %dma_wait3A_411 = arith.constant 0 : i32
      %dma_wait3A_412 = tpu.memref_slice %arg18[%dma_wait3A_411] : memref<8192xi32, #tpu.memory_space<vmem>> -> memref<64xi32, #tpu.memory_space<vmem>>
      %dma_wait3A_413 = arith.constant 0 : i32
      %dma_wait3A_414 = arith.constant 0 : i32
      %dma_wait3A_415 = tpu.memref_slice %arg6[%dma_wait3A_413, %dma_wait3A_414] : memref<100000x128xf32, #tpu.memory_space<hbm>> -> memref<100000x128xf32, #tpu.memory_space<hbm>>
      tpu.wait_indirect_dma semaphore(%arg40 : memref<!tpu.dma_semaphore, #tpu.memory_space<semaphore_mem>>) src(%dma_wait3A_415 : memref<100000x128xf32, #tpu.memory_space<hbm>>) dst(%arg23 : memref<64x128xf32, #tpu.memory_space<vmem>>)
      %add3A_416 = arith.addi %mul3A_2, %mul3A_410 : i32
      %dma_start3A_417 = arith.constant 0 : i32
      %dma_start3A_418 = tpu.memref_slice %arg10[%add3A_416, %dma_start3A_417] : memref<263168x128xf32, #tpu.memory_space<hbm>> -> memref<64x128xf32, #tpu.memory_space<hbm>>
      %dma_start3A_419 = arith.constant 0 : i32
      %dma_start3A_420 = tpu.memref_slice %arg10[%add3A_416, %dma_start3A_419] : memref<263168x128xf32, #tpu.memory_space<hbm>> -> memref<64x128xf32, #tpu.memory_space<hbm>>
      tpu.enqueue_dma source(%arg23 : memref<64x128xf32, #tpu.memory_space<vmem>>) target(%dma_start3A_420 : memref<64x128xf32, #tpu.memory_space<hbm>>) target_semaphore(%arg48 : memref<!tpu.dma_semaphore, #tpu.memory_space<semaphore_mem>>)
      %add3A_421 = arith.addi %mul3A_2, %mul3A_410 : i32
      %dma_start3A_422 = arith.constant 0 : i32
      %dma_start3A_423 = tpu.memref_slice %arg11[%add3A_421, %dma_start3A_422] : memref<263168x128xf32, #tpu.memory_space<hbm>> -> memref<64x128xf32, #tpu.memory_space<hbm>>
      %dma_start3A_424 = arith.constant 0 : i32
      %dma_start3A_425 = tpu.memref_slice %arg11[%add3A_421, %dma_start3A_424] : memref<263168x128xf32, #tpu.memory_space<hbm>> -> memref<64x128xf32, #tpu.memory_space<hbm>>
      tpu.enqueue_dma source(%arg23 : memref<64x128xf32, #tpu.memory_space<vmem>>) target(%dma_start3A_425 : memref<64x128xf32, #tpu.memory_space<hbm>>) target_semaphore(%arg48 : memref<!tpu.dma_semaphore, #tpu.memory_space<semaphore_mem>>)
      %mul3A_426 = arith.constant 8 : i32
      %mul3A_427 = arith.muli %mul3A_426, %scan3A_320 : i32
      %add3A_428 = arith.constant 5 : i32
      %add3A_429 = arith.addi %mul3A_427, %add3A_428 : i32
      %mul3A_430 = arith.constant 64 : i32
      %mul3A_431 = arith.muli %add3A_429, %mul3A_430 : i32
      %dma_wait3A_432 = arith.constant 0 : i32
      %dma_wait3A_433 = tpu.memref_slice %arg18[%dma_wait3A_432] : memref<8192xi32, #tpu.memory_space<vmem>> -> memref<64xi32, #tpu.memory_space<vmem>>
      %dma_wait3A_434 = arith.constant 0 : i32
      %dma_wait3A_435 = arith.constant 0 : i32
      %dma_wait3A_436 = tpu.memref_slice %arg6[%dma_wait3A_434, %dma_wait3A_435] : memref<100000x128xf32, #tpu.memory_space<hbm>> -> memref<100000x128xf32, #tpu.memory_space<hbm>>
      tpu.wait_indirect_dma semaphore(%arg41 : memref<!tpu.dma_semaphore, #tpu.memory_space<semaphore_mem>>) src(%dma_wait3A_436 : memref<100000x128xf32, #tpu.memory_space<hbm>>) dst(%arg24 : memref<64x128xf32, #tpu.memory_space<vmem>>)
      %add3A_437 = arith.addi %mul3A_2, %mul3A_431 : i32
      %dma_start3A_438 = arith.constant 0 : i32
      %dma_start3A_439 = tpu.memref_slice %arg10[%add3A_437, %dma_start3A_438] : memref<263168x128xf32, #tpu.memory_space<hbm>> -> memref<64x128xf32, #tpu.memory_space<hbm>>
      %dma_start3A_440 = arith.constant 0 : i32
      %dma_start3A_441 = tpu.memref_slice %arg10[%add3A_437, %dma_start3A_440] : memref<263168x128xf32, #tpu.memory_space<hbm>> -> memref<64x128xf32, #tpu.memory_space<hbm>>
      tpu.enqueue_dma source(%arg24 : memref<64x128xf32, #tpu.memory_space<vmem>>) target(%dma_start3A_441 : memref<64x128xf32, #tpu.memory_space<hbm>>) target_semaphore(%arg49 : memref<!tpu.dma_semaphore, #tpu.memory_space<semaphore_mem>>)
      %add3A_442 = arith.addi %mul3A_2, %mul3A_431 : i32
      %dma_start3A_443 = arith.constant 0 : i32
      %dma_start3A_444 = tpu.memref_slice %arg11[%add3A_442, %dma_start3A_443] : memref<263168x128xf32, #tpu.memory_space<hbm>> -> memref<64x128xf32, #tpu.memory_space<hbm>>
      %dma_start3A_445 = arith.constant 0 : i32
      %dma_start3A_446 = tpu.memref_slice %arg11[%add3A_442, %dma_start3A_445] : memref<263168x128xf32, #tpu.memory_space<hbm>> -> memref<64x128xf32, #tpu.memory_space<hbm>>
      tpu.enqueue_dma source(%arg24 : memref<64x128xf32, #tpu.memory_space<vmem>>) target(%dma_start3A_446 : memref<64x128xf32, #tpu.memory_space<hbm>>) target_semaphore(%arg49 : memref<!tpu.dma_semaphore, #tpu.memory_space<semaphore_mem>>)
      %mul3A_447 = arith.constant 8 : i32
      %mul3A_448 = arith.muli %mul3A_447, %scan3A_320 : i32
      %add3A_449 = arith.constant 6 : i32
      %add3A_450 = arith.addi %mul3A_448, %add3A_449 : i32
      %mul3A_451 = arith.constant 64 : i32
      %mul3A_452 = arith.muli %add3A_450, %mul3A_451 : i32
      %dma_wait3A_453 = arith.constant 0 : i32
      %dma_wait3A_454 = tpu.memref_slice %arg18[%dma_wait3A_453] : memref<8192xi32, #tpu.memory_space<vmem>> -> memref<64xi32, #tpu.memory_space<vmem>>
      %dma_wait3A_455 = arith.constant 0 : i32
      %dma_wait3A_456 = arith.constant 0 : i32
      %dma_wait3A_457 = tpu.memref_slice %arg6[%dma_wait3A_455, %dma_wait3A_456] : memref<100000x128xf32, #tpu.memory_space<hbm>> -> memref<100000x128xf32, #tpu.memory_space<hbm>>
      tpu.wait_indirect_dma semaphore(%arg42 : memref<!tpu.dma_semaphore, #tpu.memory_space<semaphore_mem>>) src(%dma_wait3A_457 : memref<100000x128xf32, #tpu.memory_space<hbm>>) dst(%arg25 : memref<64x128xf32, #tpu.memory_space<vmem>>)
      %add3A_458 = arith.addi %mul3A_2, %mul3A_452 : i32
      %dma_start3A_459 = arith.constant 0 : i32
      %dma_start3A_460 = tpu.memref_slice %arg10[%add3A_458, %dma_start3A_459] : memref<263168x128xf32, #tpu.memory_space<hbm>> -> memref<64x128xf32, #tpu.memory_space<hbm>>
      %dma_start3A_461 = arith.constant 0 : i32
      %dma_start3A_462 = tpu.memref_slice %arg10[%add3A_458, %dma_start3A_461] : memref<263168x128xf32, #tpu.memory_space<hbm>> -> memref<64x128xf32, #tpu.memory_space<hbm>>
      tpu.enqueue_dma source(%arg25 : memref<64x128xf32, #tpu.memory_space<vmem>>) target(%dma_start3A_462 : memref<64x128xf32, #tpu.memory_space<hbm>>) target_semaphore(%arg50 : memref<!tpu.dma_semaphore, #tpu.memory_space<semaphore_mem>>)
      %add3A_463 = arith.addi %mul3A_2, %mul3A_452 : i32
      %dma_start3A_464 = arith.constant 0 : i32
      %dma_start3A_465 = tpu.memref_slice %arg11[%add3A_463, %dma_start3A_464] : memref<263168x128xf32, #tpu.memory_space<hbm>> -> memref<64x128xf32, #tpu.memory_space<hbm>>
      %dma_start3A_466 = arith.constant 0 : i32
      %dma_start3A_467 = tpu.memref_slice %arg11[%add3A_463, %dma_start3A_466] : memref<263168x128xf32, #tpu.memory_space<hbm>> -> memref<64x128xf32, #tpu.memory_space<hbm>>
      tpu.enqueue_dma source(%arg25 : memref<64x128xf32, #tpu.memory_space<vmem>>) target(%dma_start3A_467 : memref<64x128xf32, #tpu.memory_space<hbm>>) target_semaphore(%arg50 : memref<!tpu.dma_semaphore, #tpu.memory_space<semaphore_mem>>)
      %mul3A_468 = arith.constant 8 : i32
      %mul3A_469 = arith.muli %mul3A_468, %scan3A_320 : i32
      %add3A_470 = arith.constant 7 : i32
      %add3A_471 = arith.addi %mul3A_469, %add3A_470 : i32
      %mul3A_472 = arith.constant 64 : i32
      %mul3A_473 = arith.muli %add3A_471, %mul3A_472 : i32
      %dma_wait3A_474 = arith.constant 0 : i32
      %dma_wait3A_475 = tpu.memref_slice %arg18[%dma_wait3A_474] : memref<8192xi32, #tpu.memory_space<vmem>> -> memref<64xi32, #tpu.memory_space<vmem>>
      %dma_wait3A_476 = arith.constant 0 : i32
      %dma_wait3A_477 = arith.constant 0 : i32
      %dma_wait3A_478 = tpu.memref_slice %arg6[%dma_wait3A_476, %dma_wait3A_477] : memref<100000x128xf32, #tpu.memory_space<hbm>> -> memref<100000x128xf32, #tpu.memory_space<hbm>>
      tpu.wait_indirect_dma semaphore(%arg43 : memref<!tpu.dma_semaphore, #tpu.memory_space<semaphore_mem>>) src(%dma_wait3A_478 : memref<100000x128xf32, #tpu.memory_space<hbm>>) dst(%arg26 : memref<64x128xf32, #tpu.memory_space<vmem>>)
      %add3A_479 = arith.addi %mul3A_2, %mul3A_473 : i32
      %dma_start3A_480 = arith.constant 0 : i32
      %dma_start3A_481 = tpu.memref_slice %arg10[%add3A_479, %dma_start3A_480] : memref<263168x128xf32, #tpu.memory_space<hbm>> -> memref<64x128xf32, #tpu.memory_space<hbm>>
      %dma_start3A_482 = arith.constant 0 : i32
      %dma_start3A_483 = tpu.memref_slice %arg10[%add3A_479, %dma_start3A_482] : memref<263168x128xf32, #tpu.memory_space<hbm>> -> memref<64x128xf32, #tpu.memory_space<hbm>>
      tpu.enqueue_dma source(%arg26 : memref<64x128xf32, #tpu.memory_space<vmem>>) target(%dma_start3A_483 : memref<64x128xf32, #tpu.memory_space<hbm>>) target_semaphore(%arg51 : memref<!tpu.dma_semaphore, #tpu.memory_space<semaphore_mem>>)
      %add3A_484 = arith.addi %mul3A_2, %mul3A_473 : i32
      %dma_start3A_485 = arith.constant 0 : i32
      %dma_start3A_486 = tpu.memref_slice %arg11[%add3A_484, %dma_start3A_485] : memref<263168x128xf32, #tpu.memory_space<hbm>> -> memref<64x128xf32, #tpu.memory_space<hbm>>
      %dma_start3A_487 = arith.constant 0 : i32
      %dma_start3A_488 = tpu.memref_slice %arg11[%add3A_484, %dma_start3A_487] : memref<263168x128xf32, #tpu.memory_space<hbm>> -> memref<64x128xf32, #tpu.memory_space<hbm>>
      tpu.enqueue_dma source(%arg26 : memref<64x128xf32, #tpu.memory_space<vmem>>) target(%dma_start3A_488 : memref<64x128xf32, #tpu.memory_space<hbm>>) target_semaphore(%arg51 : memref<!tpu.dma_semaphore, #tpu.memory_space<semaphore_mem>>)
      %lt3A = arith.constant 15 : i32
      %lt3A_489 = arith.cmpi slt, %scan3A_320, %lt3A : i32
      %convert_element_type3A = arith.extui %lt3A_489 : i1 to i32
      %cond3A = arith.constant 0 : i32
      %cond3A_490 = arith.cmpi ne, %convert_element_type3A, %cond3A : i32
      scf.if %cond3A_490 {
        %dma_wait3A_526 = arith.constant 0 : i32
        %dma_wait3A_527 = tpu.memref_slice %arg10[%mul3A_2, %dma_wait3A_526] : memref<263168x128xf32, #tpu.memory_space<hbm>> -> memref<64x128xf32, #tpu.memory_space<hbm>>
        %dma_wait3A_528 = arith.constant 0 : i32
        %dma_wait3A_529 = tpu.memref_slice %arg10[%mul3A_2, %dma_wait3A_528] : memref<263168x128xf32, #tpu.memory_space<hbm>> -> memref<64x128xf32, #tpu.memory_space<hbm>>
        tpu.wait_dma2 semaphore(%arg44 : memref<!tpu.dma_semaphore, #tpu.memory_space<semaphore_mem>>) src(%arg19 : memref<64x128xf32, #tpu.memory_space<vmem>>) dst(%dma_wait3A_529 : memref<64x128xf32, #tpu.memory_space<hbm>>)
        %dma_wait3A_530 = arith.constant 0 : i32
        %dma_wait3A_531 = tpu.memref_slice %arg10[%mul3A_2, %dma_wait3A_530] : memref<263168x128xf32, #tpu.memory_space<hbm>> -> memref<64x128xf32, #tpu.memory_space<hbm>>
        %dma_wait3A_532 = arith.constant 0 : i32
        %dma_wait3A_533 = tpu.memref_slice %arg10[%mul3A_2, %dma_wait3A_532] : memref<263168x128xf32, #tpu.memory_space<hbm>> -> memref<64x128xf32, #tpu.memory_space<hbm>>
        tpu.wait_dma2 semaphore(%arg44 : memref<!tpu.dma_semaphore, #tpu.memory_space<semaphore_mem>>) src(%arg19 : memref<64x128xf32, #tpu.memory_space<vmem>>) dst(%dma_wait3A_533 : memref<64x128xf32, #tpu.memory_space<hbm>>)
        %mul3A_534 = arith.constant 8 : i32
        %mul3A_535 = arith.muli %mul3A_534, %scan3A_320 : i32
        %add3A_536 = arith.constant 0 : i32
        %add3A_537 = arith.addi %mul3A_535, %add3A_536 : i32
        %add3A_538 = arith.constant 8 : i32
        %add3A_539 = arith.addi %add3A_537, %add3A_538 : i32
        %mul3A_540 = arith.constant 64 : i32
        %mul3A_541 = arith.muli %add3A_539, %mul3A_540 : i32
        %dma_start3A_542 = tpu.memref_slice %arg18[%mul3A_541] : memref<8192xi32, #tpu.memory_space<vmem>> -> memref<64xi32, #tpu.memory_space<vmem>>
        %dma_start3A_543 = arith.constant 0 : i32
        %dma_start3A_544 = arith.constant 0 : i32
        %dma_start3A_545 = tpu.memref_slice %arg6[%dma_start3A_543, %dma_start3A_544] : memref<100000x128xf32, #tpu.memory_space<hbm>> -> memref<100000x128xf32, #tpu.memory_space<hbm>>
        tpu.enqueue_indirect_dma source(%dma_start3A_545 : memref<100000x128xf32, #tpu.memory_space<hbm>>) target(%arg19 : memref<64x128xf32, #tpu.memory_space<vmem>>) offsets(%dma_start3A_542 : memref<64xi32, #tpu.memory_space<vmem>>) semaphore(%arg36 : memref<!tpu.dma_semaphore, #tpu.memory_space<semaphore_mem>>)
      } else {
      }
      %lt3A_491 = arith.constant 15 : i32
      %lt3A_492 = arith.cmpi slt, %scan3A_320, %lt3A_491 : i32
      %convert_element_type3A_493 = arith.extui %lt3A_492 : i1 to i32
      %cond3A_494 = arith.constant 0 : i32
      %cond3A_495 = arith.cmpi ne, %convert_element_type3A_493, %cond3A_494 : i32
      scf.if %cond3A_495 {
        %dma_wait3A_526 = arith.constant 0 : i32
        %dma_wait3A_527 = tpu.memref_slice %arg10[%mul3A_2, %dma_wait3A_526] : memref<263168x128xf32, #tpu.memory_space<hbm>> -> memref<64x128xf32, #tpu.memory_space<hbm>>
        %dma_wait3A_528 = arith.constant 0 : i32
        %dma_wait3A_529 = tpu.memref_slice %arg10[%mul3A_2, %dma_wait3A_528] : memref<263168x128xf32, #tpu.memory_space<hbm>> -> memref<64x128xf32, #tpu.memory_space<hbm>>
        tpu.wait_dma2 semaphore(%arg45 : memref<!tpu.dma_semaphore, #tpu.memory_space<semaphore_mem>>) src(%arg20 : memref<64x128xf32, #tpu.memory_space<vmem>>) dst(%dma_wait3A_529 : memref<64x128xf32, #tpu.memory_space<hbm>>)
        %dma_wait3A_530 = arith.constant 0 : i32
        %dma_wait3A_531 = tpu.memref_slice %arg10[%mul3A_2, %dma_wait3A_530] : memref<263168x128xf32, #tpu.memory_space<hbm>> -> memref<64x128xf32, #tpu.memory_space<hbm>>
        %dma_wait3A_532 = arith.constant 0 : i32
        %dma_wait3A_533 = tpu.memref_slice %arg10[%mul3A_2, %dma_wait3A_532] : memref<263168x128xf32, #tpu.memory_space<hbm>> -> memref<64x128xf32, #tpu.memory_space<hbm>>
        tpu.wait_dma2 semaphore(%arg45 : memref<!tpu.dma_semaphore, #tpu.memory_space<semaphore_mem>>) src(%arg20 : memref<64x128xf32, #tpu.memory_space<vmem>>) dst(%dma_wait3A_533 : memref<64x128xf32, #tpu.memory_space<hbm>>)
        %mul3A_534 = arith.constant 8 : i32
        %mul3A_535 = arith.muli %mul3A_534, %scan3A_320 : i32
        %add3A_536 = arith.constant 1 : i32
        %add3A_537 = arith.addi %mul3A_535, %add3A_536 : i32
        %add3A_538 = arith.constant 8 : i32
        %add3A_539 = arith.addi %add3A_537, %add3A_538 : i32
        %mul3A_540 = arith.constant 64 : i32
        %mul3A_541 = arith.muli %add3A_539, %mul3A_540 : i32
        %dma_start3A_542 = tpu.memref_slice %arg18[%mul3A_541] : memref<8192xi32, #tpu.memory_space<vmem>> -> memref<64xi32, #tpu.memory_space<vmem>>
        %dma_start3A_543 = arith.constant 0 : i32
        %dma_start3A_544 = arith.constant 0 : i32
        %dma_start3A_545 = tpu.memref_slice %arg6[%dma_start3A_543, %dma_start3A_544] : memref<100000x128xf32, #tpu.memory_space<hbm>> -> memref<100000x128xf32, #tpu.memory_space<hbm>>
        tpu.enqueue_indirect_dma source(%dma_start3A_545 : memref<100000x128xf32, #tpu.memory_space<hbm>>) target(%arg20 : memref<64x128xf32, #tpu.memory_space<vmem>>) offsets(%dma_start3A_542 : memref<64xi32, #tpu.memory_space<vmem>>) semaphore(%arg37 : memref<!tpu.dma_semaphore, #tpu.memory_space<semaphore_mem>>)
      } else {
      }
      %lt3A_496 = arith.constant 15 : i32
      %lt3A_497 = arith.cmpi slt, %scan3A_320, %lt3A_496 : i32
      %convert_element_type3A_498 = arith.extui %lt3A_497 : i1 to i32
      %cond3A_499 = arith.constant 0 : i32
      %cond3A_500 = arith.cmpi ne, %convert_element_type3A_498, %cond3A_499 : i32
      scf.if %cond3A_500 {
        %dma_wait3A_526 = arith.constant 0 : i32
        %dma_wait3A_527 = tpu.memref_slice %arg10[%mul3A_2, %dma_wait3A_526] : memref<263168x128xf32, #tpu.memory_space<hbm>> -> memref<64x128xf32, #tpu.memory_space<hbm>>
        %dma_wait3A_528 = arith.constant 0 : i32
        %dma_wait3A_529 = tpu.memref_slice %arg10[%mul3A_2, %dma_wait3A_528] : memref<263168x128xf32, #tpu.memory_space<hbm>> -> memref<64x128xf32, #tpu.memory_space<hbm>>
        tpu.wait_dma2 semaphore(%arg46 : memref<!tpu.dma_semaphore, #tpu.memory_space<semaphore_mem>>) src(%arg21 : memref<64x128xf32, #tpu.memory_space<vmem>>) dst(%dma_wait3A_529 : memref<64x128xf32, #tpu.memory_space<hbm>>)
        %dma_wait3A_530 = arith.constant 0 : i32
        %dma_wait3A_531 = tpu.memref_slice %arg10[%mul3A_2, %dma_wait3A_530] : memref<263168x128xf32, #tpu.memory_space<hbm>> -> memref<64x128xf32, #tpu.memory_space<hbm>>
        %dma_wait3A_532 = arith.constant 0 : i32
        %dma_wait3A_533 = tpu.memref_slice %arg10[%mul3A_2, %dma_wait3A_532] : memref<263168x128xf32, #tpu.memory_space<hbm>> -> memref<64x128xf32, #tpu.memory_space<hbm>>
        tpu.wait_dma2 semaphore(%arg46 : memref<!tpu.dma_semaphore, #tpu.memory_space<semaphore_mem>>) src(%arg21 : memref<64x128xf32, #tpu.memory_space<vmem>>) dst(%dma_wait3A_533 : memref<64x128xf32, #tpu.memory_space<hbm>>)
        %mul3A_534 = arith.constant 8 : i32
        %mul3A_535 = arith.muli %mul3A_534, %scan3A_320 : i32
        %add3A_536 = arith.constant 2 : i32
        %add3A_537 = arith.addi %mul3A_535, %add3A_536 : i32
        %add3A_538 = arith.constant 8 : i32
        %add3A_539 = arith.addi %add3A_537, %add3A_538 : i32
        %mul3A_540 = arith.constant 64 : i32
        %mul3A_541 = arith.muli %add3A_539, %mul3A_540 : i32
        %dma_start3A_542 = tpu.memref_slice %arg18[%mul3A_541] : memref<8192xi32, #tpu.memory_space<vmem>> -> memref<64xi32, #tpu.memory_space<vmem>>
        %dma_start3A_543 = arith.constant 0 : i32
        %dma_start3A_544 = arith.constant 0 : i32
        %dma_start3A_545 = tpu.memref_slice %arg6[%dma_start3A_543, %dma_start3A_544] : memref<100000x128xf32, #tpu.memory_space<hbm>> -> memref<100000x128xf32, #tpu.memory_space<hbm>>
        tpu.enqueue_indirect_dma source(%dma_start3A_545 : memref<100000x128xf32, #tpu.memory_space<hbm>>) target(%arg21 : memref<64x128xf32, #tpu.memory_space<vmem>>) offsets(%dma_start3A_542 : memref<64xi32, #tpu.memory_space<vmem>>) semaphore(%arg38 : memref<!tpu.dma_semaphore, #tpu.memory_space<semaphore_mem>>)
      } else {
      }
      %lt3A_501 = arith.constant 15 : i32
      %lt3A_502 = arith.cmpi slt, %scan3A_320, %lt3A_501 : i32
      %convert_element_type3A_503 = arith.extui %lt3A_502 : i1 to i32
      %cond3A_504 = arith.constant 0 : i32
      %cond3A_505 = arith.cmpi ne, %convert_element_type3A_503, %cond3A_504 : i32
      scf.if %cond3A_505 {
        %dma_wait3A_526 = arith.constant 0 : i32
        %dma_wait3A_527 = tpu.memref_slice %arg10[%mul3A_2, %dma_wait3A_526] : memref<263168x128xf32, #tpu.memory_space<hbm>> -> memref<64x128xf32, #tpu.memory_space<hbm>>
        %dma_wait3A_528 = arith.constant 0 : i32
        %dma_wait3A_529 = tpu.memref_slice %arg10[%mul3A_2, %dma_wait3A_528] : memref<263168x128xf32, #tpu.memory_space<hbm>> -> memref<64x128xf32, #tpu.memory_space<hbm>>
        tpu.wait_dma2 semaphore(%arg47 : memref<!tpu.dma_semaphore, #tpu.memory_space<semaphore_mem>>) src(%arg22 : memref<64x128xf32, #tpu.memory_space<vmem>>) dst(%dma_wait3A_529 : memref<64x128xf32, #tpu.memory_space<hbm>>)
        %dma_wait3A_530 = arith.constant 0 : i32
        %dma_wait3A_531 = tpu.memref_slice %arg10[%mul3A_2, %dma_wait3A_530] : memref<263168x128xf32, #tpu.memory_space<hbm>> -> memref<64x128xf32, #tpu.memory_space<hbm>>
        %dma_wait3A_532 = arith.constant 0 : i32
        %dma_wait3A_533 = tpu.memref_slice %arg10[%mul3A_2, %dma_wait3A_532] : memref<263168x128xf32, #tpu.memory_space<hbm>> -> memref<64x128xf32, #tpu.memory_space<hbm>>
        tpu.wait_dma2 semaphore(%arg47 : memref<!tpu.dma_semaphore, #tpu.memory_space<semaphore_mem>>) src(%arg22 : memref<64x128xf32, #tpu.memory_space<vmem>>) dst(%dma_wait3A_533 : memref<64x128xf32, #tpu.memory_space<hbm>>)
        %mul3A_534 = arith.constant 8 : i32
        %mul3A_535 = arith.muli %mul3A_534, %scan3A_320 : i32
        %add3A_536 = arith.constant 3 : i32
        %add3A_537 = arith.addi %mul3A_535, %add3A_536 : i32
        %add3A_538 = arith.constant 8 : i32
        %add3A_539 = arith.addi %add3A_537, %add3A_538 : i32
        %mul3A_540 = arith.constant 64 : i32
        %mul3A_541 = arith.muli %add3A_539, %mul3A_540 : i32
        %dma_start3A_542 = tpu.memref_slice %arg18[%mul3A_541] : memref<8192xi32, #tpu.memory_space<vmem>> -> memref<64xi32, #tpu.memory_space<vmem>>
        %dma_start3A_543 = arith.constant 0 : i32
        %dma_start3A_544 = arith.constant 0 : i32
        %dma_start3A_545 = tpu.memref_slice %arg6[%dma_start3A_543, %dma_start3A_544] : memref<100000x128xf32, #tpu.memory_space<hbm>> -> memref<100000x128xf32, #tpu.memory_space<hbm>>
        tpu.enqueue_indirect_dma source(%dma_start3A_545 : memref<100000x128xf32, #tpu.memory_space<hbm>>) target(%arg22 : memref<64x128xf32, #tpu.memory_space<vmem>>) offsets(%dma_start3A_542 : memref<64xi32, #tpu.memory_space<vmem>>) semaphore(%arg39 : memref<!tpu.dma_semaphore, #tpu.memory_space<semaphore_mem>>)
      } else {
      }
      %lt3A_506 = arith.constant 15 : i32
      %lt3A_507 = arith.cmpi slt, %scan3A_320, %lt3A_506 : i32
      %convert_element_type3A_508 = arith.extui %lt3A_507 : i1 to i32
      %cond3A_509 = arith.constant 0 : i32
      %cond3A_510 = arith.cmpi ne, %convert_element_type3A_508, %cond3A_509 : i32
      scf.if %cond3A_510 {
        %dma_wait3A_526 = arith.constant 0 : i32
        %dma_wait3A_527 = tpu.memref_slice %arg10[%mul3A_2, %dma_wait3A_526] : memref<263168x128xf32, #tpu.memory_space<hbm>> -> memref<64x128xf32, #tpu.memory_space<hbm>>
        %dma_wait3A_528 = arith.constant 0 : i32
        %dma_wait3A_529 = tpu.memref_slice %arg10[%mul3A_2, %dma_wait3A_528] : memref<263168x128xf32, #tpu.memory_space<hbm>> -> memref<64x128xf32, #tpu.memory_space<hbm>>
        tpu.wait_dma2 semaphore(%arg48 : memref<!tpu.dma_semaphore, #tpu.memory_space<semaphore_mem>>) src(%arg23 : memref<64x128xf32, #tpu.memory_space<vmem>>) dst(%dma_wait3A_529 : memref<64x128xf32, #tpu.memory_space<hbm>>)
        %dma_wait3A_530 = arith.constant 0 : i32
        %dma_wait3A_531 = tpu.memref_slice %arg10[%mul3A_2, %dma_wait3A_530] : memref<263168x128xf32, #tpu.memory_space<hbm>> -> memref<64x128xf32, #tpu.memory_space<hbm>>
        %dma_wait3A_532 = arith.constant 0 : i32
        %dma_wait3A_533 = tpu.memref_slice %arg10[%mul3A_2, %dma_wait3A_532] : memref<263168x128xf32, #tpu.memory_space<hbm>> -> memref<64x128xf32, #tpu.memory_space<hbm>>
        tpu.wait_dma2 semaphore(%arg48 : memref<!tpu.dma_semaphore, #tpu.memory_space<semaphore_mem>>) src(%arg23 : memref<64x128xf32, #tpu.memory_space<vmem>>) dst(%dma_wait3A_533 : memref<64x128xf32, #tpu.memory_space<hbm>>)
        %mul3A_534 = arith.constant 8 : i32
        %mul3A_535 = arith.muli %mul3A_534, %scan3A_320 : i32
        %add3A_536 = arith.constant 4 : i32
        %add3A_537 = arith.addi %mul3A_535, %add3A_536 : i32
        %add3A_538 = arith.constant 8 : i32
        %add3A_539 = arith.addi %add3A_537, %add3A_538 : i32
        %mul3A_540 = arith.constant 64 : i32
        %mul3A_541 = arith.muli %add3A_539, %mul3A_540 : i32
        %dma_start3A_542 = tpu.memref_slice %arg18[%mul3A_541] : memref<8192xi32, #tpu.memory_space<vmem>> -> memref<64xi32, #tpu.memory_space<vmem>>
        %dma_start3A_543 = arith.constant 0 : i32
        %dma_start3A_544 = arith.constant 0 : i32
        %dma_start3A_545 = tpu.memref_slice %arg6[%dma_start3A_543, %dma_start3A_544] : memref<100000x128xf32, #tpu.memory_space<hbm>> -> memref<100000x128xf32, #tpu.memory_space<hbm>>
        tpu.enqueue_indirect_dma source(%dma_start3A_545 : memref<100000x128xf32, #tpu.memory_space<hbm>>) target(%arg23 : memref<64x128xf32, #tpu.memory_space<vmem>>) offsets(%dma_start3A_542 : memref<64xi32, #tpu.memory_space<vmem>>) semaphore(%arg40 : memref<!tpu.dma_semaphore, #tpu.memory_space<semaphore_mem>>)
      } else {
      }
      %lt3A_511 = arith.constant 15 : i32
      %lt3A_512 = arith.cmpi slt, %scan3A_320, %lt3A_511 : i32
      %convert_element_type3A_513 = arith.extui %lt3A_512 : i1 to i32
      %cond3A_514 = arith.constant 0 : i32
      %cond3A_515 = arith.cmpi ne, %convert_element_type3A_513, %cond3A_514 : i32
      scf.if %cond3A_515 {
        %dma_wait3A_526 = arith.constant 0 : i32
        %dma_wait3A_527 = tpu.memref_slice %arg10[%mul3A_2, %dma_wait3A_526] : memref<263168x128xf32, #tpu.memory_space<hbm>> -> memref<64x128xf32, #tpu.memory_space<hbm>>
        %dma_wait3A_528 = arith.constant 0 : i32
        %dma_wait3A_529 = tpu.memref_slice %arg10[%mul3A_2, %dma_wait3A_528] : memref<263168x128xf32, #tpu.memory_space<hbm>> -> memref<64x128xf32, #tpu.memory_space<hbm>>
        tpu.wait_dma2 semaphore(%arg49 : memref<!tpu.dma_semaphore, #tpu.memory_space<semaphore_mem>>) src(%arg24 : memref<64x128xf32, #tpu.memory_space<vmem>>) dst(%dma_wait3A_529 : memref<64x128xf32, #tpu.memory_space<hbm>>)
        %dma_wait3A_530 = arith.constant 0 : i32
        %dma_wait3A_531 = tpu.memref_slice %arg10[%mul3A_2, %dma_wait3A_530] : memref<263168x128xf32, #tpu.memory_space<hbm>> -> memref<64x128xf32, #tpu.memory_space<hbm>>
        %dma_wait3A_532 = arith.constant 0 : i32
        %dma_wait3A_533 = tpu.memref_slice %arg10[%mul3A_2, %dma_wait3A_532] : memref<263168x128xf32, #tpu.memory_space<hbm>> -> memref<64x128xf32, #tpu.memory_space<hbm>>
        tpu.wait_dma2 semaphore(%arg49 : memref<!tpu.dma_semaphore, #tpu.memory_space<semaphore_mem>>) src(%arg24 : memref<64x128xf32, #tpu.memory_space<vmem>>) dst(%dma_wait3A_533 : memref<64x128xf32, #tpu.memory_space<hbm>>)
        %mul3A_534 = arith.constant 8 : i32
        %mul3A_535 = arith.muli %mul3A_534, %scan3A_320 : i32
        %add3A_536 = arith.constant 5 : i32
        %add3A_537 = arith.addi %mul3A_535, %add3A_536 : i32
        %add3A_538 = arith.constant 8 : i32
        %add3A_539 = arith.addi %add3A_537, %add3A_538 : i32
        %mul3A_540 = arith.constant 64 : i32
        %mul3A_541 = arith.muli %add3A_539, %mul3A_540 : i32
        %dma_start3A_542 = tpu.memref_slice %arg18[%mul3A_541] : memref<8192xi32, #tpu.memory_space<vmem>> -> memref<64xi32, #tpu.memory_space<vmem>>
        %dma_start3A_543 = arith.constant 0 : i32
        %dma_start3A_544 = arith.constant 0 : i32
        %dma_start3A_545 = tpu.memref_slice %arg6[%dma_start3A_543, %dma_start3A_544] : memref<100000x128xf32, #tpu.memory_space<hbm>> -> memref<100000x128xf32, #tpu.memory_space<hbm>>
        tpu.enqueue_indirect_dma source(%dma_start3A_545 : memref<100000x128xf32, #tpu.memory_space<hbm>>) target(%arg24 : memref<64x128xf32, #tpu.memory_space<vmem>>) offsets(%dma_start3A_542 : memref<64xi32, #tpu.memory_space<vmem>>) semaphore(%arg41 : memref<!tpu.dma_semaphore, #tpu.memory_space<semaphore_mem>>)
      } else {
      }
      %lt3A_516 = arith.constant 15 : i32
      %lt3A_517 = arith.cmpi slt, %scan3A_320, %lt3A_516 : i32
      %convert_element_type3A_518 = arith.extui %lt3A_517 : i1 to i32
      %cond3A_519 = arith.constant 0 : i32
      %cond3A_520 = arith.cmpi ne, %convert_element_type3A_518, %cond3A_519 : i32
      scf.if %cond3A_520 {
        %dma_wait3A_526 = arith.constant 0 : i32
        %dma_wait3A_527 = tpu.memref_slice %arg10[%mul3A_2, %dma_wait3A_526] : memref<263168x128xf32, #tpu.memory_space<hbm>> -> memref<64x128xf32, #tpu.memory_space<hbm>>
        %dma_wait3A_528 = arith.constant 0 : i32
        %dma_wait3A_529 = tpu.memref_slice %arg10[%mul3A_2, %dma_wait3A_528] : memref<263168x128xf32, #tpu.memory_space<hbm>> -> memref<64x128xf32, #tpu.memory_space<hbm>>
        tpu.wait_dma2 semaphore(%arg50 : memref<!tpu.dma_semaphore, #tpu.memory_space<semaphore_mem>>) src(%arg25 : memref<64x128xf32, #tpu.memory_space<vmem>>) dst(%dma_wait3A_529 : memref<64x128xf32, #tpu.memory_space<hbm>>)
        %dma_wait3A_530 = arith.constant 0 : i32
        %dma_wait3A_531 = tpu.memref_slice %arg10[%mul3A_2, %dma_wait3A_530] : memref<263168x128xf32, #tpu.memory_space<hbm>> -> memref<64x128xf32, #tpu.memory_space<hbm>>
        %dma_wait3A_532 = arith.constant 0 : i32
        %dma_wait3A_533 = tpu.memref_slice %arg10[%mul3A_2, %dma_wait3A_532] : memref<263168x128xf32, #tpu.memory_space<hbm>> -> memref<64x128xf32, #tpu.memory_space<hbm>>
        tpu.wait_dma2 semaphore(%arg50 : memref<!tpu.dma_semaphore, #tpu.memory_space<semaphore_mem>>) src(%arg25 : memref<64x128xf32, #tpu.memory_space<vmem>>) dst(%dma_wait3A_533 : memref<64x128xf32, #tpu.memory_space<hbm>>)
        %mul3A_534 = arith.constant 8 : i32
        %mul3A_535 = arith.muli %mul3A_534, %scan3A_320 : i32
        %add3A_536 = arith.constant 6 : i32
        %add3A_537 = arith.addi %mul3A_535, %add3A_536 : i32
        %add3A_538 = arith.constant 8 : i32
        %add3A_539 = arith.addi %add3A_537, %add3A_538 : i32
        %mul3A_540 = arith.constant 64 : i32
        %mul3A_541 = arith.muli %add3A_539, %mul3A_540 : i32
        %dma_start3A_542 = tpu.memref_slice %arg18[%mul3A_541] : memref<8192xi32, #tpu.memory_space<vmem>> -> memref<64xi32, #tpu.memory_space<vmem>>
        %dma_start3A_543 = arith.constant 0 : i32
        %dma_start3A_544 = arith.constant 0 : i32
        %dma_start3A_545 = tpu.memref_slice %arg6[%dma_start3A_543, %dma_start3A_544] : memref<100000x128xf32, #tpu.memory_space<hbm>> -> memref<100000x128xf32, #tpu.memory_space<hbm>>
        tpu.enqueue_indirect_dma source(%dma_start3A_545 : memref<100000x128xf32, #tpu.memory_space<hbm>>) target(%arg25 : memref<64x128xf32, #tpu.memory_space<vmem>>) offsets(%dma_start3A_542 : memref<64xi32, #tpu.memory_space<vmem>>) semaphore(%arg42 : memref<!tpu.dma_semaphore, #tpu.memory_space<semaphore_mem>>)
      } else {
      }
      %lt3A_521 = arith.constant 15 : i32
      %lt3A_522 = arith.cmpi slt, %scan3A_320, %lt3A_521 : i32
      %convert_element_type3A_523 = arith.extui %lt3A_522 : i1 to i32
      %cond3A_524 = arith.constant 0 : i32
      %cond3A_525 = arith.cmpi ne, %convert_element_type3A_523, %cond3A_524 : i32
      scf.if %cond3A_525 {
        %dma_wait3A_526 = arith.constant 0 : i32
        %dma_wait3A_527 = tpu.memref_slice %arg10[%mul3A_2, %dma_wait3A_526] : memref<263168x128xf32, #tpu.memory_space<hbm>> -> memref<64x128xf32, #tpu.memory_space<hbm>>
        %dma_wait3A_528 = arith.constant 0 : i32
        %dma_wait3A_529 = tpu.memref_slice %arg10[%mul3A_2, %dma_wait3A_528] : memref<263168x128xf32, #tpu.memory_space<hbm>> -> memref<64x128xf32, #tpu.memory_space<hbm>>
        tpu.wait_dma2 semaphore(%arg51 : memref<!tpu.dma_semaphore, #tpu.memory_space<semaphore_mem>>) src(%arg26 : memref<64x128xf32, #tpu.memory_space<vmem>>) dst(%dma_wait3A_529 : memref<64x128xf32, #tpu.memory_space<hbm>>)
        %dma_wait3A_530 = arith.constant 0 : i32
        %dma_wait3A_531 = tpu.memref_slice %arg10[%mul3A_2, %dma_wait3A_530] : memref<263168x128xf32, #tpu.memory_space<hbm>> -> memref<64x128xf32, #tpu.memory_space<hbm>>
        %dma_wait3A_532 = arith.constant 0 : i32
        %dma_wait3A_533 = tpu.memref_slice %arg10[%mul3A_2, %dma_wait3A_532] : memref<263168x128xf32, #tpu.memory_space<hbm>> -> memref<64x128xf32, #tpu.memory_space<hbm>>
        tpu.wait_dma2 semaphore(%arg51 : memref<!tpu.dma_semaphore, #tpu.memory_space<semaphore_mem>>) src(%arg26 : memref<64x128xf32, #tpu.memory_space<vmem>>) dst(%dma_wait3A_533 : memref<64x128xf32, #tpu.memory_space<hbm>>)
        %mul3A_534 = arith.constant 8 : i32
        %mul3A_535 = arith.muli %mul3A_534, %scan3A_320 : i32
        %add3A_536 = arith.constant 7 : i32
        %add3A_537 = arith.addi %mul3A_535, %add3A_536 : i32
        %add3A_538 = arith.constant 8 : i32
        %add3A_539 = arith.addi %add3A_537, %add3A_538 : i32
        %mul3A_540 = arith.constant 64 : i32
        %mul3A_541 = arith.muli %add3A_539, %mul3A_540 : i32
        %dma_start3A_542 = tpu.memref_slice %arg18[%mul3A_541] : memref<8192xi32, #tpu.memory_space<vmem>> -> memref<64xi32, #tpu.memory_space<vmem>>
        %dma_start3A_543 = arith.constant 0 : i32
        %dma_start3A_544 = arith.constant 0 : i32
        %dma_start3A_545 = tpu.memref_slice %arg6[%dma_start3A_543, %dma_start3A_544] : memref<100000x128xf32, #tpu.memory_space<hbm>> -> memref<100000x128xf32, #tpu.memory_space<hbm>>
        tpu.enqueue_indirect_dma source(%dma_start3A_545 : memref<100000x128xf32, #tpu.memory_space<hbm>>) target(%arg26 : memref<64x128xf32, #tpu.memory_space<vmem>>) offsets(%dma_start3A_542 : memref<64xi32, #tpu.memory_space<vmem>>) semaphore(%arg43 : memref<!tpu.dma_semaphore, #tpu.memory_space<semaphore_mem>>)
      } else {
      }
    }
    %scan3A_87 = arith.constant 16 : i32
    %dma_wait3A_88 = arith.constant 0 : i32
    %dma_wait3A_89 = tpu.memref_slice %arg10[%mul3A_2, %dma_wait3A_88] : memref<263168x128xf32, #tpu.memory_space<hbm>> -> memref<64x128xf32, #tpu.memory_space<hbm>>
    %dma_wait3A_90 = arith.constant 0 : i32
    %dma_wait3A_91 = tpu.memref_slice %arg10[%mul3A_2, %dma_wait3A_90] : memref<263168x128xf32, #tpu.memory_space<hbm>> -> memref<64x128xf32, #tpu.memory_space<hbm>>
    tpu.wait_dma2 semaphore(%arg44 : memref<!tpu.dma_semaphore, #tpu.memory_space<semaphore_mem>>) src(%arg19 : memref<64x128xf32, #tpu.memory_space<vmem>>) dst(%dma_wait3A_91 : memref<64x128xf32, #tpu.memory_space<hbm>>)
    %dma_wait3A_92 = arith.constant 0 : i32
    %dma_wait3A_93 = tpu.memref_slice %arg10[%mul3A_2, %dma_wait3A_92] : memref<263168x128xf32, #tpu.memory_space<hbm>> -> memref<64x128xf32, #tpu.memory_space<hbm>>
    %dma_wait3A_94 = arith.constant 0 : i32
    %dma_wait3A_95 = tpu.memref_slice %arg10[%mul3A_2, %dma_wait3A_94] : memref<263168x128xf32, #tpu.memory_space<hbm>> -> memref<64x128xf32, #tpu.memory_space<hbm>>
    tpu.wait_dma2 semaphore(%arg44 : memref<!tpu.dma_semaphore, #tpu.memory_space<semaphore_mem>>) src(%arg19 : memref<64x128xf32, #tpu.memory_space<vmem>>) dst(%dma_wait3A_95 : memref<64x128xf32, #tpu.memory_space<hbm>>)
    %dma_wait3A_96 = arith.constant 0 : i32
    %dma_wait3A_97 = tpu.memref_slice %arg10[%mul3A_2, %dma_wait3A_96] : memref<263168x128xf32, #tpu.memory_space<hbm>> -> memref<64x128xf32, #tpu.memory_space<hbm>>
    %dma_wait3A_98 = arith.constant 0 : i32
    %dma_wait3A_99 = tpu.memref_slice %arg10[%mul3A_2, %dma_wait3A_98] : memref<263168x128xf32, #tpu.memory_space<hbm>> -> memref<64x128xf32, #tpu.memory_space<hbm>>
    tpu.wait_dma2 semaphore(%arg45 : memref<!tpu.dma_semaphore, #tpu.memory_space<semaphore_mem>>) src(%arg20 : memref<64x128xf32, #tpu.memory_space<vmem>>) dst(%dma_wait3A_99 : memref<64x128xf32, #tpu.memory_space<hbm>>)
    %dma_wait3A_100 = arith.constant 0 : i32
    %dma_wait3A_101 = tpu.memref_slice %arg10[%mul3A_2, %dma_wait3A_100] : memref<263168x128xf32, #tpu.memory_space<hbm>> -> memref<64x128xf32, #tpu.memory_space<hbm>>
    %dma_wait3A_102 = arith.constant 0 : i32
    %dma_wait3A_103 = tpu.memref_slice %arg10[%mul3A_2, %dma_wait3A_102] : memref<263168x128xf32, #tpu.memory_space<hbm>> -> memref<64x128xf32, #tpu.memory_space<hbm>>
    tpu.wait_dma2 semaphore(%arg45 : memref<!tpu.dma_semaphore, #tpu.memory_space<semaphore_mem>>) src(%arg20 : memref<64x128xf32, #tpu.memory_space<vmem>>) dst(%dma_wait3A_103 : memref<64x128xf32, #tpu.memory_space<hbm>>)
    %dma_wait3A_104 = arith.constant 0 : i32
    %dma_wait3A_105 = tpu.memref_slice %arg10[%mul3A_2, %dma_wait3A_104] : memref<263168x128xf32, #tpu.memory_space<hbm>> -> memref<64x128xf32, #tpu.memory_space<hbm>>
    %dma_wait3A_106 = arith.constant 0 : i32
    %dma_wait3A_107 = tpu.memref_slice %arg10[%mul3A_2, %dma_wait3A_106] : memref<263168x128xf32, #tpu.memory_space<hbm>> -> memref<64x128xf32, #tpu.memory_space<hbm>>
    tpu.wait_dma2 semaphore(%arg46 : memref<!tpu.dma_semaphore, #tpu.memory_space<semaphore_mem>>) src(%arg21 : memref<64x128xf32, #tpu.memory_space<vmem>>) dst(%dma_wait3A_107 : memref<64x128xf32, #tpu.memory_space<hbm>>)
    %dma_wait3A_108 = arith.constant 0 : i32
    %dma_wait3A_109 = tpu.memref_slice %arg10[%mul3A_2, %dma_wait3A_108] : memref<263168x128xf32, #tpu.memory_space<hbm>> -> memref<64x128xf32, #tpu.memory_space<hbm>>
    %dma_wait3A_110 = arith.constant 0 : i32
    %dma_wait3A_111 = tpu.memref_slice %arg10[%mul3A_2, %dma_wait3A_110] : memref<263168x128xf32, #tpu.memory_space<hbm>> -> memref<64x128xf32, #tpu.memory_space<hbm>>
    tpu.wait_dma2 semaphore(%arg46 : memref<!tpu.dma_semaphore, #tpu.memory_space<semaphore_mem>>) src(%arg21 : memref<64x128xf32, #tpu.memory_space<vmem>>) dst(%dma_wait3A_111 : memref<64x128xf32, #tpu.memory_space<hbm>>)
    %dma_wait3A_112 = arith.constant 0 : i32
    %dma_wait3A_113 = tpu.memref_slice %arg10[%mul3A_2, %dma_wait3A_112] : memref<263168x128xf32, #tpu.memory_space<hbm>> -> memref<64x128xf32, #tpu.memory_space<hbm>>
    %dma_wait3A_114 = arith.constant 0 : i32
    %dma_wait3A_115 = tpu.memref_slice %arg10[%mul3A_2, %dma_wait3A_114] : memref<263168x128xf32, #tpu.memory_space<hbm>> -> memref<64x128xf32, #tpu.memory_space<hbm>>
    tpu.wait_dma2 semaphore(%arg47 : memref<!tpu.dma_semaphore, #tpu.memory_space<semaphore_mem>>) src(%arg22 : memref<64x128xf32, #tpu.memory_space<vmem>>) dst(%dma_wait3A_115 : memref<64x128xf32, #tpu.memory_space<hbm>>)
    %dma_wait3A_116 = arith.constant 0 : i32
    %dma_wait3A_117 = tpu.memref_slice %arg10[%mul3A_2, %dma_wait3A_116] : memref<263168x128xf32, #tpu.memory_space<hbm>> -> memref<64x128xf32, #tpu.memory_space<hbm>>
    %dma_wait3A_118 = arith.constant 0 : i32
    %dma_wait3A_119 = tpu.memref_slice %arg10[%mul3A_2, %dma_wait3A_118] : memref<263168x128xf32, #tpu.memory_space<hbm>> -> memref<64x128xf32, #tpu.memory_space<hbm>>
    tpu.wait_dma2 semaphore(%arg47 : memref<!tpu.dma_semaphore, #tpu.memory_space<semaphore_mem>>) src(%arg22 : memref<64x128xf32, #tpu.memory_space<vmem>>) dst(%dma_wait3A_119 : memref<64x128xf32, #tpu.memory_space<hbm>>)
    %dma_wait3A_120 = arith.constant 0 : i32
    %dma_wait3A_121 = tpu.memref_slice %arg10[%mul3A_2, %dma_wait3A_120] : memref<263168x128xf32, #tpu.memory_space<hbm>> -> memref<64x128xf32, #tpu.memory_space<hbm>>
    %dma_wait3A_122 = arith.constant 0 : i32
    %dma_wait3A_123 = tpu.memref_slice %arg10[%mul3A_2, %dma_wait3A_122] : memref<263168x128xf32, #tpu.memory_space<hbm>> -> memref<64x128xf32, #tpu.memory_space<hbm>>
    tpu.wait_dma2 semaphore(%arg48 : memref<!tpu.dma_semaphore, #tpu.memory_space<semaphore_mem>>) src(%arg23 : memref<64x128xf32, #tpu.memory_space<vmem>>) dst(%dma_wait3A_123 : memref<64x128xf32, #tpu.memory_space<hbm>>)
    %dma_wait3A_124 = arith.constant 0 : i32
    %dma_wait3A_125 = tpu.memref_slice %arg10[%mul3A_2, %dma_wait3A_124] : memref<263168x128xf32, #tpu.memory_space<hbm>> -> memref<64x128xf32, #tpu.memory_space<hbm>>
    %dma_wait3A_126 = arith.constant 0 : i32
    %dma_wait3A_127 = tpu.memref_slice %arg10[%mul3A_2, %dma_wait3A_126] : memref<263168x128xf32, #tpu.memory_space<hbm>> -> memref<64x128xf32, #tpu.memory_space<hbm>>
    tpu.wait_dma2 semaphore(%arg48 : memref<!tpu.dma_semaphore, #tpu.memory_space<semaphore_mem>>) src(%arg23 : memref<64x128xf32, #tpu.memory_space<vmem>>) dst(%dma_wait3A_127 : memref<64x128xf32, #tpu.memory_space<hbm>>)
    %dma_wait3A_128 = arith.constant 0 : i32
    %dma_wait3A_129 = tpu.memref_slice %arg10[%mul3A_2, %dma_wait3A_128] : memref<263168x128xf32, #tpu.memory_space<hbm>> -> memref<64x128xf32, #tpu.memory_space<hbm>>
    %dma_wait3A_130 = arith.constant 0 : i32
    %dma_wait3A_131 = tpu.memref_slice %arg10[%mul3A_2, %dma_wait3A_130] : memref<263168x128xf32, #tpu.memory_space<hbm>> -> memref<64x128xf32, #tpu.memory_space<hbm>>
    tpu.wait_dma2 semaphore(%arg49 : memref<!tpu.dma_semaphore, #tpu.memory_space<semaphore_mem>>) src(%arg24 : memref<64x128xf32, #tpu.memory_space<vmem>>) dst(%dma_wait3A_131 : memref<64x128xf32, #tpu.memory_space<hbm>>)
    %dma_wait3A_132 = arith.constant 0 : i32
    %dma_wait3A_133 = tpu.memref_slice %arg10[%mul3A_2, %dma_wait3A_132] : memref<263168x128xf32, #tpu.memory_space<hbm>> -> memref<64x128xf32, #tpu.memory_space<hbm>>
    %dma_wait3A_134 = arith.constant 0 : i32
    %dma_wait3A_135 = tpu.memref_slice %arg10[%mul3A_2, %dma_wait3A_134] : memref<263168x128xf32, #tpu.memory_space<hbm>> -> memref<64x128xf32, #tpu.memory_space<hbm>>
    tpu.wait_dma2 semaphore(%arg49 : memref<!tpu.dma_semaphore, #tpu.memory_space<semaphore_mem>>) src(%arg24 : memref<64x128xf32, #tpu.memory_space<vmem>>) dst(%dma_wait3A_135 : memref<64x128xf32, #tpu.memory_space<hbm>>)
    %dma_wait3A_136 = arith.constant 0 : i32
    %dma_wait3A_137 = tpu.memref_slice %arg10[%mul3A_2, %dma_wait3A_136] : memref<263168x128xf32, #tpu.memory_space<hbm>> -> memref<64x128xf32, #tpu.memory_space<hbm>>
    %dma_wait3A_138 = arith.constant 0 : i32
    %dma_wait3A_139 = tpu.memref_slice %arg10[%mul3A_2, %dma_wait3A_138] : memref<263168x128xf32, #tpu.memory_space<hbm>> -> memref<64x128xf32, #tpu.memory_space<hbm>>
    tpu.wait_dma2 semaphore(%arg50 : memref<!tpu.dma_semaphore, #tpu.memory_space<semaphore_mem>>) src(%arg25 : memref<64x128xf32, #tpu.memory_space<vmem>>) dst(%dma_wait3A_139 : memref<64x128xf32, #tpu.memory_space<hbm>>)
    %dma_wait3A_140 = arith.constant 0 : i32
    %dma_wait3A_141 = tpu.memref_slice %arg10[%mul3A_2, %dma_wait3A_140] : memref<263168x128xf32, #tpu.memory_space<hbm>> -> memref<64x128xf32, #tpu.memory_space<hbm>>
    %dma_wait3A_142 = arith.constant 0 : i32
    %dma_wait3A_143 = tpu.memref_slice %arg10[%mul3A_2, %dma_wait3A_142] : memref<263168x128xf32, #tpu.memory_space<hbm>> -> memref<64x128xf32, #tpu.memory_space<hbm>>
    tpu.wait_dma2 semaphore(%arg50 : memref<!tpu.dma_semaphore, #tpu.memory_space<semaphore_mem>>) src(%arg25 : memref<64x128xf32, #tpu.memory_space<vmem>>) dst(%dma_wait3A_143 : memref<64x128xf32, #tpu.memory_space<hbm>>)
    %dma_wait3A_144 = arith.constant 0 : i32
    %dma_wait3A_145 = tpu.memref_slice %arg10[%mul3A_2, %dma_wait3A_144] : memref<263168x128xf32, #tpu.memory_space<hbm>> -> memref<64x128xf32, #tpu.memory_space<hbm>>
    %dma_wait3A_146 = arith.constant 0 : i32
    %dma_wait3A_147 = tpu.memref_slice %arg10[%mul3A_2, %dma_wait3A_146] : memref<263168x128xf32, #tpu.memory_space<hbm>> -> memref<64x128xf32, #tpu.memory_space<hbm>>
    tpu.wait_dma2 semaphore(%arg51 : memref<!tpu.dma_semaphore, #tpu.memory_space<semaphore_mem>>) src(%arg26 : memref<64x128xf32, #tpu.memory_space<vmem>>) dst(%dma_wait3A_147 : memref<64x128xf32, #tpu.memory_space<hbm>>)
    %dma_wait3A_148 = arith.constant 0 : i32
    %dma_wait3A_149 = tpu.memref_slice %arg10[%mul3A_2, %dma_wait3A_148] : memref<263168x128xf32, #tpu.memory_space<hbm>> -> memref<64x128xf32, #tpu.memory_space<hbm>>
    %dma_wait3A_150 = arith.constant 0 : i32
    %dma_wait3A_151 = tpu.memref_slice %arg10[%mul3A_2, %dma_wait3A_150] : memref<263168x128xf32, #tpu.memory_space<hbm>> -> memref<64x128xf32, #tpu.memory_space<hbm>>
    tpu.wait_dma2 semaphore(%arg51 : memref<!tpu.dma_semaphore, #tpu.memory_space<semaphore_mem>>) src(%arg26 : memref<64x128xf32, #tpu.memory_space<vmem>>) dst(%dma_wait3A_151 : memref<64x128xf32, #tpu.memory_space<hbm>>)
    %dma_start3A_152 = arith.constant 0 : i32
    %dma_start3A_153 = tpu.memref_slice %arg18[%dma_start3A_152] : memref<8192xi32, #tpu.memory_space<vmem>> -> memref<64xi32, #tpu.memory_space<vmem>>
    %dma_start3A_154 = arith.constant 0 : i32
    %dma_start3A_155 = arith.constant 0 : i32
    %dma_start3A_156 = tpu.memref_slice %arg5[%dma_start3A_154, %dma_start3A_155] : memref<100000x128xf32, #tpu.memory_space<hbm>> -> memref<100000x128xf32, #tpu.memory_space<hbm>>
    tpu.enqueue_indirect_dma source(%dma_start3A_156 : memref<100000x128xf32, #tpu.memory_space<hbm>>) target(%arg19 : memref<64x128xf32, #tpu.memory_space<vmem>>) offsets(%dma_start3A_153 : memref<64xi32, #tpu.memory_space<vmem>>) semaphore(%arg36 : memref<!tpu.dma_semaphore, #tpu.memory_space<semaphore_mem>>)
    %dma_start3A_157 = arith.constant 64 : i32
    %dma_start3A_158 = tpu.memref_slice %arg18[%dma_start3A_157] : memref<8192xi32, #tpu.memory_space<vmem>> -> memref<64xi32, #tpu.memory_space<vmem>>
    %dma_start3A_159 = arith.constant 0 : i32
    %dma_start3A_160 = arith.constant 0 : i32
    %dma_start3A_161 = tpu.memref_slice %arg5[%dma_start3A_159, %dma_start3A_160] : memref<100000x128xf32, #tpu.memory_space<hbm>> -> memref<100000x128xf32, #tpu.memory_space<hbm>>
    tpu.enqueue_indirect_dma source(%dma_start3A_161 : memref<100000x128xf32, #tpu.memory_space<hbm>>) target(%arg20 : memref<64x128xf32, #tpu.memory_space<vmem>>) offsets(%dma_start3A_158 : memref<64xi32, #tpu.memory_space<vmem>>) semaphore(%arg37 : memref<!tpu.dma_semaphore, #tpu.memory_space<semaphore_mem>>)
    %dma_start3A_162 = arith.constant 128 : i32
    %dma_start3A_163 = tpu.memref_slice %arg18[%dma_start3A_162] : memref<8192xi32, #tpu.memory_space<vmem>> -> memref<64xi32, #tpu.memory_space<vmem>>
    %dma_start3A_164 = arith.constant 0 : i32
    %dma_start3A_165 = arith.constant 0 : i32
    %dma_start3A_166 = tpu.memref_slice %arg5[%dma_start3A_164, %dma_start3A_165] : memref<100000x128xf32, #tpu.memory_space<hbm>> -> memref<100000x128xf32, #tpu.memory_space<hbm>>
    tpu.enqueue_indirect_dma source(%dma_start3A_166 : memref<100000x128xf32, #tpu.memory_space<hbm>>) target(%arg21 : memref<64x128xf32, #tpu.memory_space<vmem>>) offsets(%dma_start3A_163 : memref<64xi32, #tpu.memory_space<vmem>>) semaphore(%arg38 : memref<!tpu.dma_semaphore, #tpu.memory_space<semaphore_mem>>)
    %dma_start3A_167 = arith.constant 192 : i32
    %dma_start3A_168 = tpu.memref_slice %arg18[%dma_start3A_167] : memref<8192xi32, #tpu.memory_space<vmem>> -> memref<64xi32, #tpu.memory_space<vmem>>
    %dma_start3A_169 = arith.constant 0 : i32
    %dma_start3A_170 = arith.constant 0 : i32
    %dma_start3A_171 = tpu.memref_slice %arg5[%dma_start3A_169, %dma_start3A_170] : memref<100000x128xf32, #tpu.memory_space<hbm>> -> memref<100000x128xf32, #tpu.memory_space<hbm>>
    tpu.enqueue_indirect_dma source(%dma_start3A_171 : memref<100000x128xf32, #tpu.memory_space<hbm>>) target(%arg22 : memref<64x128xf32, #tpu.memory_space<vmem>>) offsets(%dma_start3A_168 : memref<64xi32, #tpu.memory_space<vmem>>) semaphore(%arg39 : memref<!tpu.dma_semaphore, #tpu.memory_space<semaphore_mem>>)
    %dma_start3A_172 = arith.constant 256 : i32
    %dma_start3A_173 = tpu.memref_slice %arg18[%dma_start3A_172] : memref<8192xi32, #tpu.memory_space<vmem>> -> memref<64xi32, #tpu.memory_space<vmem>>
    %dma_start3A_174 = arith.constant 0 : i32
    %dma_start3A_175 = arith.constant 0 : i32
    %dma_start3A_176 = tpu.memref_slice %arg5[%dma_start3A_174, %dma_start3A_175] : memref<100000x128xf32, #tpu.memory_space<hbm>> -> memref<100000x128xf32, #tpu.memory_space<hbm>>
    tpu.enqueue_indirect_dma source(%dma_start3A_176 : memref<100000x128xf32, #tpu.memory_space<hbm>>) target(%arg23 : memref<64x128xf32, #tpu.memory_space<vmem>>) offsets(%dma_start3A_173 : memref<64xi32, #tpu.memory_space<vmem>>) semaphore(%arg40 : memref<!tpu.dma_semaphore, #tpu.memory_space<semaphore_mem>>)
    %dma_start3A_177 = arith.constant 320 : i32
    %dma_start3A_178 = tpu.memref_slice %arg18[%dma_start3A_177] : memref<8192xi32, #tpu.memory_space<vmem>> -> memref<64xi32, #tpu.memory_space<vmem>>
    %dma_start3A_179 = arith.constant 0 : i32
    %dma_start3A_180 = arith.constant 0 : i32
    %dma_start3A_181 = tpu.memref_slice %arg5[%dma_start3A_179, %dma_start3A_180] : memref<100000x128xf32, #tpu.memory_space<hbm>> -> memref<100000x128xf32, #tpu.memory_space<hbm>>
    tpu.enqueue_indirect_dma source(%dma_start3A_181 : memref<100000x128xf32, #tpu.memory_space<hbm>>) target(%arg24 : memref<64x128xf32, #tpu.memory_space<vmem>>) offsets(%dma_start3A_178 : memref<64xi32, #tpu.memory_space<vmem>>) semaphore(%arg41 : memref<!tpu.dma_semaphore, #tpu.memory_space<semaphore_mem>>)
    %dma_start3A_182 = arith.constant 384 : i32
    %dma_start3A_183 = tpu.memref_slice %arg18[%dma_start3A_182] : memref<8192xi32, #tpu.memory_space<vmem>> -> memref<64xi32, #tpu.memory_space<vmem>>
    %dma_start3A_184 = arith.constant 0 : i32
    %dma_start3A_185 = arith.constant 0 : i32
    %dma_start3A_186 = tpu.memref_slice %arg5[%dma_start3A_184, %dma_start3A_185] : memref<100000x128xf32, #tpu.memory_space<hbm>> -> memref<100000x128xf32, #tpu.memory_space<hbm>>
    tpu.enqueue_indirect_dma source(%dma_start3A_186 : memref<100000x128xf32, #tpu.memory_space<hbm>>) target(%arg25 : memref<64x128xf32, #tpu.memory_space<vmem>>) offsets(%dma_start3A_183 : memref<64xi32, #tpu.memory_space<vmem>>) semaphore(%arg42 : memref<!tpu.dma_semaphore, #tpu.memory_space<semaphore_mem>>)
    %dma_start3A_187 = arith.constant 448 : i32
    %dma_start3A_188 = tpu.memref_slice %arg18[%dma_start3A_187] : memref<8192xi32, #tpu.memory_space<vmem>> -> memref<64xi32, #tpu.memory_space<vmem>>
    %dma_start3A_189 = arith.constant 0 : i32
    %dma_start3A_190 = arith.constant 0 : i32
    %dma_start3A_191 = tpu.memref_slice %arg5[%dma_start3A_189, %dma_start3A_190] : memref<100000x128xf32, #tpu.memory_space<hbm>> -> memref<100000x128xf32, #tpu.memory_space<hbm>>
    tpu.enqueue_indirect_dma source(%dma_start3A_191 : memref<100000x128xf32, #tpu.memory_space<hbm>>) target(%arg26 : memref<64x128xf32, #tpu.memory_space<vmem>>) offsets(%dma_start3A_188 : memref<64xi32, #tpu.memory_space<vmem>>) semaphore(%arg43 : memref<!tpu.dma_semaphore, #tpu.memory_space<semaphore_mem>>)
    %scan3A_192 = arith.constant 0 : i32
    %scan3A_193 = arith.constant 0 : i32
    %scan3A_194 = arith.constant 16 : i32
    %scan3A_195 = arith.addi %scan3A_193, %scan3A_194 : i32
    %scan3A_196 = arith.constant 1 : i32
    scf.for %scan3A_320 = %scan3A_193 to %scan3A_195 step %scan3A_196  : i32 {
      %mul3A_321 = arith.constant 8 : i32
      %mul3A_322 = arith.muli %mul3A_321, %scan3A_320 : i32
      %add3A_323 = arith.constant 0 : i32
      %add3A_324 = arith.addi %mul3A_322, %add3A_323 : i32
      %mul3A_325 = arith.constant 64 : i32
      %mul3A_326 = arith.muli %add3A_324, %mul3A_325 : i32
      %dma_wait3A_327 = arith.constant 0 : i32
      %dma_wait3A_328 = tpu.memref_slice %arg18[%dma_wait3A_327] : memref<8192xi32, #tpu.memory_space<vmem>> -> memref<64xi32, #tpu.memory_space<vmem>>
      %dma_wait3A_329 = arith.constant 0 : i32
      %dma_wait3A_330 = arith.constant 0 : i32
      %dma_wait3A_331 = tpu.memref_slice %arg5[%dma_wait3A_329, %dma_wait3A_330] : memref<100000x128xf32, #tpu.memory_space<hbm>> -> memref<100000x128xf32, #tpu.memory_space<hbm>>
      tpu.wait_indirect_dma semaphore(%arg36 : memref<!tpu.dma_semaphore, #tpu.memory_space<semaphore_mem>>) src(%dma_wait3A_331 : memref<100000x128xf32, #tpu.memory_space<hbm>>) dst(%arg19 : memref<64x128xf32, #tpu.memory_space<vmem>>)
      %add3A_332 = arith.addi %mul3A_2, %mul3A_326 : i32
      %dma_start3A_333 = arith.constant 0 : i32
      %dma_start3A_334 = tpu.memref_slice %arg9[%add3A_332, %dma_start3A_333] : memref<263168x128xf32, #tpu.memory_space<hbm>> -> memref<64x128xf32, #tpu.memory_space<hbm>>
      %dma_start3A_335 = arith.constant 0 : i32
      %dma_start3A_336 = tpu.memref_slice %arg9[%add3A_332, %dma_start3A_335] : memref<263168x128xf32, #tpu.memory_space<hbm>> -> memref<64x128xf32, #tpu.memory_space<hbm>>
      tpu.enqueue_dma source(%arg19 : memref<64x128xf32, #tpu.memory_space<vmem>>) target(%dma_start3A_336 : memref<64x128xf32, #tpu.memory_space<hbm>>) target_semaphore(%arg44 : memref<!tpu.dma_semaphore, #tpu.memory_space<semaphore_mem>>)
      %mul3A_337 = arith.constant 8 : i32
      %mul3A_338 = arith.muli %mul3A_337, %scan3A_320 : i32
      %add3A_339 = arith.constant 1 : i32
      %add3A_340 = arith.addi %mul3A_338, %add3A_339 : i32
      %mul3A_341 = arith.constant 64 : i32
      %mul3A_342 = arith.muli %add3A_340, %mul3A_341 : i32
      %dma_wait3A_343 = arith.constant 0 : i32
      %dma_wait3A_344 = tpu.memref_slice %arg18[%dma_wait3A_343] : memref<8192xi32, #tpu.memory_space<vmem>> -> memref<64xi32, #tpu.memory_space<vmem>>
      %dma_wait3A_345 = arith.constant 0 : i32
      %dma_wait3A_346 = arith.constant 0 : i32
      %dma_wait3A_347 = tpu.memref_slice %arg5[%dma_wait3A_345, %dma_wait3A_346] : memref<100000x128xf32, #tpu.memory_space<hbm>> -> memref<100000x128xf32, #tpu.memory_space<hbm>>
      tpu.wait_indirect_dma semaphore(%arg37 : memref<!tpu.dma_semaphore, #tpu.memory_space<semaphore_mem>>) src(%dma_wait3A_347 : memref<100000x128xf32, #tpu.memory_space<hbm>>) dst(%arg20 : memref<64x128xf32, #tpu.memory_space<vmem>>)
      %add3A_348 = arith.addi %mul3A_2, %mul3A_342 : i32
      %dma_start3A_349 = arith.constant 0 : i32
      %dma_start3A_350 = tpu.memref_slice %arg9[%add3A_348, %dma_start3A_349] : memref<263168x128xf32, #tpu.memory_space<hbm>> -> memref<64x128xf32, #tpu.memory_space<hbm>>
      %dma_start3A_351 = arith.constant 0 : i32
      %dma_start3A_352 = tpu.memref_slice %arg9[%add3A_348, %dma_start3A_351] : memref<263168x128xf32, #tpu.memory_space<hbm>> -> memref<64x128xf32, #tpu.memory_space<hbm>>
      tpu.enqueue_dma source(%arg20 : memref<64x128xf32, #tpu.memory_space<vmem>>) target(%dma_start3A_352 : memref<64x128xf32, #tpu.memory_space<hbm>>) target_semaphore(%arg45 : memref<!tpu.dma_semaphore, #tpu.memory_space<semaphore_mem>>)
      %mul3A_353 = arith.constant 8 : i32
      %mul3A_354 = arith.muli %mul3A_353, %scan3A_320 : i32
      %add3A_355 = arith.constant 2 : i32
      %add3A_356 = arith.addi %mul3A_354, %add3A_355 : i32
      %mul3A_357 = arith.constant 64 : i32
      %mul3A_358 = arith.muli %add3A_356, %mul3A_357 : i32
      %dma_wait3A_359 = arith.constant 0 : i32
      %dma_wait3A_360 = tpu.memref_slice %arg18[%dma_wait3A_359] : memref<8192xi32, #tpu.memory_space<vmem>> -> memref<64xi32, #tpu.memory_space<vmem>>
      %dma_wait3A_361 = arith.constant 0 : i32
      %dma_wait3A_362 = arith.constant 0 : i32
      %dma_wait3A_363 = tpu.memref_slice %arg5[%dma_wait3A_361, %dma_wait3A_362] : memref<100000x128xf32, #tpu.memory_space<hbm>> -> memref<100000x128xf32, #tpu.memory_space<hbm>>
      tpu.wait_indirect_dma semaphore(%arg38 : memref<!tpu.dma_semaphore, #tpu.memory_space<semaphore_mem>>) src(%dma_wait3A_363 : memref<100000x128xf32, #tpu.memory_space<hbm>>) dst(%arg21 : memref<64x128xf32, #tpu.memory_space<vmem>>)
      %add3A_364 = arith.addi %mul3A_2, %mul3A_358 : i32
      %dma_start3A_365 = arith.constant 0 : i32
      %dma_start3A_366 = tpu.memref_slice %arg9[%add3A_364, %dma_start3A_365] : memref<263168x128xf32, #tpu.memory_space<hbm>> -> memref<64x128xf32, #tpu.memory_space<hbm>>
      %dma_start3A_367 = arith.constant 0 : i32
      %dma_start3A_368 = tpu.memref_slice %arg9[%add3A_364, %dma_start3A_367] : memref<263168x128xf32, #tpu.memory_space<hbm>> -> memref<64x128xf32, #tpu.memory_space<hbm>>
      tpu.enqueue_dma source(%arg21 : memref<64x128xf32, #tpu.memory_space<vmem>>) target(%dma_start3A_368 : memref<64x128xf32, #tpu.memory_space<hbm>>) target_semaphore(%arg46 : memref<!tpu.dma_semaphore, #tpu.memory_space<semaphore_mem>>)
      %mul3A_369 = arith.constant 8 : i32
      %mul3A_370 = arith.muli %mul3A_369, %scan3A_320 : i32
      %add3A_371 = arith.constant 3 : i32
      %add3A_372 = arith.addi %mul3A_370, %add3A_371 : i32
      %mul3A_373 = arith.constant 64 : i32
      %mul3A_374 = arith.muli %add3A_372, %mul3A_373 : i32
      %dma_wait3A_375 = arith.constant 0 : i32
      %dma_wait3A_376 = tpu.memref_slice %arg18[%dma_wait3A_375] : memref<8192xi32, #tpu.memory_space<vmem>> -> memref<64xi32, #tpu.memory_space<vmem>>
      %dma_wait3A_377 = arith.constant 0 : i32
      %dma_wait3A_378 = arith.constant 0 : i32
      %dma_wait3A_379 = tpu.memref_slice %arg5[%dma_wait3A_377, %dma_wait3A_378] : memref<100000x128xf32, #tpu.memory_space<hbm>> -> memref<100000x128xf32, #tpu.memory_space<hbm>>
      tpu.wait_indirect_dma semaphore(%arg39 : memref<!tpu.dma_semaphore, #tpu.memory_space<semaphore_mem>>) src(%dma_wait3A_379 : memref<100000x128xf32, #tpu.memory_space<hbm>>) dst(%arg22 : memref<64x128xf32, #tpu.memory_space<vmem>>)
      %add3A_380 = arith.addi %mul3A_2, %mul3A_374 : i32
      %dma_start3A_381 = arith.constant 0 : i32
      %dma_start3A_382 = tpu.memref_slice %arg9[%add3A_380, %dma_start3A_381] : memref<263168x128xf32, #tpu.memory_space<hbm>> -> memref<64x128xf32, #tpu.memory_space<hbm>>
      %dma_start3A_383 = arith.constant 0 : i32
      %dma_start3A_384 = tpu.memref_slice %arg9[%add3A_380, %dma_start3A_383] : memref<263168x128xf32, #tpu.memory_space<hbm>> -> memref<64x128xf32, #tpu.memory_space<hbm>>
      tpu.enqueue_dma source(%arg22 : memref<64x128xf32, #tpu.memory_space<vmem>>) target(%dma_start3A_384 : memref<64x128xf32, #tpu.memory_space<hbm>>) target_semaphore(%arg47 : memref<!tpu.dma_semaphore, #tpu.memory_space<semaphore_mem>>)
      %mul3A_385 = arith.constant 8 : i32
      %mul3A_386 = arith.muli %mul3A_385, %scan3A_320 : i32
      %add3A_387 = arith.constant 4 : i32
      %add3A_388 = arith.addi %mul3A_386, %add3A_387 : i32
      %mul3A_389 = arith.constant 64 : i32
      %mul3A_390 = arith.muli %add3A_388, %mul3A_389 : i32
      %dma_wait3A_391 = arith.constant 0 : i32
      %dma_wait3A_392 = tpu.memref_slice %arg18[%dma_wait3A_391] : memref<8192xi32, #tpu.memory_space<vmem>> -> memref<64xi32, #tpu.memory_space<vmem>>
      %dma_wait3A_393 = arith.constant 0 : i32
      %dma_wait3A_394 = arith.constant 0 : i32
      %dma_wait3A_395 = tpu.memref_slice %arg5[%dma_wait3A_393, %dma_wait3A_394] : memref<100000x128xf32, #tpu.memory_space<hbm>> -> memref<100000x128xf32, #tpu.memory_space<hbm>>
      tpu.wait_indirect_dma semaphore(%arg40 : memref<!tpu.dma_semaphore, #tpu.memory_space<semaphore_mem>>) src(%dma_wait3A_395 : memref<100000x128xf32, #tpu.memory_space<hbm>>) dst(%arg23 : memref<64x128xf32, #tpu.memory_space<vmem>>)
      %add3A_396 = arith.addi %mul3A_2, %mul3A_390 : i32
      %dma_start3A_397 = arith.constant 0 : i32
      %dma_start3A_398 = tpu.memref_slice %arg9[%add3A_396, %dma_start3A_397] : memref<263168x128xf32, #tpu.memory_space<hbm>> -> memref<64x128xf32, #tpu.memory_space<hbm>>
      %dma_start3A_399 = arith.constant 0 : i32
      %dma_start3A_400 = tpu.memref_slice %arg9[%add3A_396, %dma_start3A_399] : memref<263168x128xf32, #tpu.memory_space<hbm>> -> memref<64x128xf32, #tpu.memory_space<hbm>>
      tpu.enqueue_dma source(%arg23 : memref<64x128xf32, #tpu.memory_space<vmem>>) target(%dma_start3A_400 : memref<64x128xf32, #tpu.memory_space<hbm>>) target_semaphore(%arg48 : memref<!tpu.dma_semaphore, #tpu.memory_space<semaphore_mem>>)
      %mul3A_401 = arith.constant 8 : i32
      %mul3A_402 = arith.muli %mul3A_401, %scan3A_320 : i32
      %add3A_403 = arith.constant 5 : i32
      %add3A_404 = arith.addi %mul3A_402, %add3A_403 : i32
      %mul3A_405 = arith.constant 64 : i32
      %mul3A_406 = arith.muli %add3A_404, %mul3A_405 : i32
      %dma_wait3A_407 = arith.constant 0 : i32
      %dma_wait3A_408 = tpu.memref_slice %arg18[%dma_wait3A_407] : memref<8192xi32, #tpu.memory_space<vmem>> -> memref<64xi32, #tpu.memory_space<vmem>>
      %dma_wait3A_409 = arith.constant 0 : i32
      %dma_wait3A_410 = arith.constant 0 : i32
      %dma_wait3A_411 = tpu.memref_slice %arg5[%dma_wait3A_409, %dma_wait3A_410] : memref<100000x128xf32, #tpu.memory_space<hbm>> -> memref<100000x128xf32, #tpu.memory_space<hbm>>
      tpu.wait_indirect_dma semaphore(%arg41 : memref<!tpu.dma_semaphore, #tpu.memory_space<semaphore_mem>>) src(%dma_wait3A_411 : memref<100000x128xf32, #tpu.memory_space<hbm>>) dst(%arg24 : memref<64x128xf32, #tpu.memory_space<vmem>>)
      %add3A_412 = arith.addi %mul3A_2, %mul3A_406 : i32
      %dma_start3A_413 = arith.constant 0 : i32
      %dma_start3A_414 = tpu.memref_slice %arg9[%add3A_412, %dma_start3A_413] : memref<263168x128xf32, #tpu.memory_space<hbm>> -> memref<64x128xf32, #tpu.memory_space<hbm>>
      %dma_start3A_415 = arith.constant 0 : i32
      %dma_start3A_416 = tpu.memref_slice %arg9[%add3A_412, %dma_start3A_415] : memref<263168x128xf32, #tpu.memory_space<hbm>> -> memref<64x128xf32, #tpu.memory_space<hbm>>
      tpu.enqueue_dma source(%arg24 : memref<64x128xf32, #tpu.memory_space<vmem>>) target(%dma_start3A_416 : memref<64x128xf32, #tpu.memory_space<hbm>>) target_semaphore(%arg49 : memref<!tpu.dma_semaphore, #tpu.memory_space<semaphore_mem>>)
      %mul3A_417 = arith.constant 8 : i32
      %mul3A_418 = arith.muli %mul3A_417, %scan3A_320 : i32
      %add3A_419 = arith.constant 6 : i32
      %add3A_420 = arith.addi %mul3A_418, %add3A_419 : i32
      %mul3A_421 = arith.constant 64 : i32
      %mul3A_422 = arith.muli %add3A_420, %mul3A_421 : i32
      %dma_wait3A_423 = arith.constant 0 : i32
      %dma_wait3A_424 = tpu.memref_slice %arg18[%dma_wait3A_423] : memref<8192xi32, #tpu.memory_space<vmem>> -> memref<64xi32, #tpu.memory_space<vmem>>
      %dma_wait3A_425 = arith.constant 0 : i32
      %dma_wait3A_426 = arith.constant 0 : i32
      %dma_wait3A_427 = tpu.memref_slice %arg5[%dma_wait3A_425, %dma_wait3A_426] : memref<100000x128xf32, #tpu.memory_space<hbm>> -> memref<100000x128xf32, #tpu.memory_space<hbm>>
      tpu.wait_indirect_dma semaphore(%arg42 : memref<!tpu.dma_semaphore, #tpu.memory_space<semaphore_mem>>) src(%dma_wait3A_427 : memref<100000x128xf32, #tpu.memory_space<hbm>>) dst(%arg25 : memref<64x128xf32, #tpu.memory_space<vmem>>)
      %add3A_428 = arith.addi %mul3A_2, %mul3A_422 : i32
      %dma_start3A_429 = arith.constant 0 : i32
      %dma_start3A_430 = tpu.memref_slice %arg9[%add3A_428, %dma_start3A_429] : memref<263168x128xf32, #tpu.memory_space<hbm>> -> memref<64x128xf32, #tpu.memory_space<hbm>>
      %dma_start3A_431 = arith.constant 0 : i32
      %dma_start3A_432 = tpu.memref_slice %arg9[%add3A_428, %dma_start3A_431] : memref<263168x128xf32, #tpu.memory_space<hbm>> -> memref<64x128xf32, #tpu.memory_space<hbm>>
      tpu.enqueue_dma source(%arg25 : memref<64x128xf32, #tpu.memory_space<vmem>>) target(%dma_start3A_432 : memref<64x128xf32, #tpu.memory_space<hbm>>) target_semaphore(%arg50 : memref<!tpu.dma_semaphore, #tpu.memory_space<semaphore_mem>>)
      %mul3A_433 = arith.constant 8 : i32
      %mul3A_434 = arith.muli %mul3A_433, %scan3A_320 : i32
      %add3A_435 = arith.constant 7 : i32
      %add3A_436 = arith.addi %mul3A_434, %add3A_435 : i32
      %mul3A_437 = arith.constant 64 : i32
      %mul3A_438 = arith.muli %add3A_436, %mul3A_437 : i32
      %dma_wait3A_439 = arith.constant 0 : i32
      %dma_wait3A_440 = tpu.memref_slice %arg18[%dma_wait3A_439] : memref<8192xi32, #tpu.memory_space<vmem>> -> memref<64xi32, #tpu.memory_space<vmem>>
      %dma_wait3A_441 = arith.constant 0 : i32
      %dma_wait3A_442 = arith.constant 0 : i32
      %dma_wait3A_443 = tpu.memref_slice %arg5[%dma_wait3A_441, %dma_wait3A_442] : memref<100000x128xf32, #tpu.memory_space<hbm>> -> memref<100000x128xf32, #tpu.memory_space<hbm>>
      tpu.wait_indirect_dma semaphore(%arg43 : memref<!tpu.dma_semaphore, #tpu.memory_space<semaphore_mem>>) src(%dma_wait3A_443 : memref<100000x128xf32, #tpu.memory_space<hbm>>) dst(%arg26 : memref<64x128xf32, #tpu.memory_space<vmem>>)
      %add3A_444 = arith.addi %mul3A_2, %mul3A_438 : i32
      %dma_start3A_445 = arith.constant 0 : i32
      %dma_start3A_446 = tpu.memref_slice %arg9[%add3A_444, %dma_start3A_445] : memref<263168x128xf32, #tpu.memory_space<hbm>> -> memref<64x128xf32, #tpu.memory_space<hbm>>
      %dma_start3A_447 = arith.constant 0 : i32
      %dma_start3A_448 = tpu.memref_slice %arg9[%add3A_444, %dma_start3A_447] : memref<263168x128xf32, #tpu.memory_space<hbm>> -> memref<64x128xf32, #tpu.memory_space<hbm>>
      tpu.enqueue_dma source(%arg26 : memref<64x128xf32, #tpu.memory_space<vmem>>) target(%dma_start3A_448 : memref<64x128xf32, #tpu.memory_space<hbm>>) target_semaphore(%arg51 : memref<!tpu.dma_semaphore, #tpu.memory_space<semaphore_mem>>)
      %lt3A = arith.constant 15 : i32
      %lt3A_449 = arith.cmpi slt, %scan3A_320, %lt3A : i32
      %convert_element_type3A = arith.extui %lt3A_449 : i1 to i32
      %cond3A = arith.constant 0 : i32
      %cond3A_450 = arith.cmpi ne, %convert_element_type3A, %cond3A : i32
      scf.if %cond3A_450 {
        %dma_wait3A_486 = arith.constant 0 : i32
        %dma_wait3A_487 = tpu.memref_slice %arg9[%mul3A_2, %dma_wait3A_486] : memref<263168x128xf32, #tpu.memory_space<hbm>> -> memref<64x128xf32, #tpu.memory_space<hbm>>
        %dma_wait3A_488 = arith.constant 0 : i32
        %dma_wait3A_489 = tpu.memref_slice %arg9[%mul3A_2, %dma_wait3A_488] : memref<263168x128xf32, #tpu.memory_space<hbm>> -> memref<64x128xf32, #tpu.memory_space<hbm>>
        tpu.wait_dma2 semaphore(%arg44 : memref<!tpu.dma_semaphore, #tpu.memory_space<semaphore_mem>>) src(%arg19 : memref<64x128xf32, #tpu.memory_space<vmem>>) dst(%dma_wait3A_489 : memref<64x128xf32, #tpu.memory_space<hbm>>)
        %mul3A_490 = arith.constant 8 : i32
        %mul3A_491 = arith.muli %mul3A_490, %scan3A_320 : i32
        %add3A_492 = arith.constant 0 : i32
        %add3A_493 = arith.addi %mul3A_491, %add3A_492 : i32
        %add3A_494 = arith.constant 8 : i32
        %add3A_495 = arith.addi %add3A_493, %add3A_494 : i32
        %mul3A_496 = arith.constant 64 : i32
        %mul3A_497 = arith.muli %add3A_495, %mul3A_496 : i32
        %dma_start3A_498 = tpu.memref_slice %arg18[%mul3A_497] : memref<8192xi32, #tpu.memory_space<vmem>> -> memref<64xi32, #tpu.memory_space<vmem>>
        %dma_start3A_499 = arith.constant 0 : i32
        %dma_start3A_500 = arith.constant 0 : i32
        %dma_start3A_501 = tpu.memref_slice %arg5[%dma_start3A_499, %dma_start3A_500] : memref<100000x128xf32, #tpu.memory_space<hbm>> -> memref<100000x128xf32, #tpu.memory_space<hbm>>
        tpu.enqueue_indirect_dma source(%dma_start3A_501 : memref<100000x128xf32, #tpu.memory_space<hbm>>) target(%arg19 : memref<64x128xf32, #tpu.memory_space<vmem>>) offsets(%dma_start3A_498 : memref<64xi32, #tpu.memory_space<vmem>>) semaphore(%arg36 : memref<!tpu.dma_semaphore, #tpu.memory_space<semaphore_mem>>)
      } else {
      }
      %lt3A_451 = arith.constant 15 : i32
      %lt3A_452 = arith.cmpi slt, %scan3A_320, %lt3A_451 : i32
      %convert_element_type3A_453 = arith.extui %lt3A_452 : i1 to i32
      %cond3A_454 = arith.constant 0 : i32
      %cond3A_455 = arith.cmpi ne, %convert_element_type3A_453, %cond3A_454 : i32
      scf.if %cond3A_455 {
        %dma_wait3A_486 = arith.constant 0 : i32
        %dma_wait3A_487 = tpu.memref_slice %arg9[%mul3A_2, %dma_wait3A_486] : memref<263168x128xf32, #tpu.memory_space<hbm>> -> memref<64x128xf32, #tpu.memory_space<hbm>>
        %dma_wait3A_488 = arith.constant 0 : i32
        %dma_wait3A_489 = tpu.memref_slice %arg9[%mul3A_2, %dma_wait3A_488] : memref<263168x128xf32, #tpu.memory_space<hbm>> -> memref<64x128xf32, #tpu.memory_space<hbm>>
        tpu.wait_dma2 semaphore(%arg45 : memref<!tpu.dma_semaphore, #tpu.memory_space<semaphore_mem>>) src(%arg20 : memref<64x128xf32, #tpu.memory_space<vmem>>) dst(%dma_wait3A_489 : memref<64x128xf32, #tpu.memory_space<hbm>>)
        %mul3A_490 = arith.constant 8 : i32
        %mul3A_491 = arith.muli %mul3A_490, %scan3A_320 : i32
        %add3A_492 = arith.constant 1 : i32
        %add3A_493 = arith.addi %mul3A_491, %add3A_492 : i32
        %add3A_494 = arith.constant 8 : i32
        %add3A_495 = arith.addi %add3A_493, %add3A_494 : i32
        %mul3A_496 = arith.constant 64 : i32
        %mul3A_497 = arith.muli %add3A_495, %mul3A_496 : i32
        %dma_start3A_498 = tpu.memref_slice %arg18[%mul3A_497] : memref<8192xi32, #tpu.memory_space<vmem>> -> memref<64xi32, #tpu.memory_space<vmem>>
        %dma_start3A_499 = arith.constant 0 : i32
        %dma_start3A_500 = arith.constant 0 : i32
        %dma_start3A_501 = tpu.memref_slice %arg5[%dma_start3A_499, %dma_start3A_500] : memref<100000x128xf32, #tpu.memory_space<hbm>> -> memref<100000x128xf32, #tpu.memory_space<hbm>>
        tpu.enqueue_indirect_dma source(%dma_start3A_501 : memref<100000x128xf32, #tpu.memory_space<hbm>>) target(%arg20 : memref<64x128xf32, #tpu.memory_space<vmem>>) offsets(%dma_start3A_498 : memref<64xi32, #tpu.memory_space<vmem>>) semaphore(%arg37 : memref<!tpu.dma_semaphore, #tpu.memory_space<semaphore_mem>>)
      } else {
      }
      %lt3A_456 = arith.constant 15 : i32
      %lt3A_457 = arith.cmpi slt, %scan3A_320, %lt3A_456 : i32
      %convert_element_type3A_458 = arith.extui %lt3A_457 : i1 to i32
      %cond3A_459 = arith.constant 0 : i32
      %cond3A_460 = arith.cmpi ne, %convert_element_type3A_458, %cond3A_459 : i32
      scf.if %cond3A_460 {
        %dma_wait3A_486 = arith.constant 0 : i32
        %dma_wait3A_487 = tpu.memref_slice %arg9[%mul3A_2, %dma_wait3A_486] : memref<263168x128xf32, #tpu.memory_space<hbm>> -> memref<64x128xf32, #tpu.memory_space<hbm>>
        %dma_wait3A_488 = arith.constant 0 : i32
        %dma_wait3A_489 = tpu.memref_slice %arg9[%mul3A_2, %dma_wait3A_488] : memref<263168x128xf32, #tpu.memory_space<hbm>> -> memref<64x128xf32, #tpu.memory_space<hbm>>
        tpu.wait_dma2 semaphore(%arg46 : memref<!tpu.dma_semaphore, #tpu.memory_space<semaphore_mem>>) src(%arg21 : memref<64x128xf32, #tpu.memory_space<vmem>>) dst(%dma_wait3A_489 : memref<64x128xf32, #tpu.memory_space<hbm>>)
        %mul3A_490 = arith.constant 8 : i32
        %mul3A_491 = arith.muli %mul3A_490, %scan3A_320 : i32
        %add3A_492 = arith.constant 2 : i32
        %add3A_493 = arith.addi %mul3A_491, %add3A_492 : i32
        %add3A_494 = arith.constant 8 : i32
        %add3A_495 = arith.addi %add3A_493, %add3A_494 : i32
        %mul3A_496 = arith.constant 64 : i32
        %mul3A_497 = arith.muli %add3A_495, %mul3A_496 : i32
        %dma_start3A_498 = tpu.memref_slice %arg18[%mul3A_497] : memref<8192xi32, #tpu.memory_space<vmem>> -> memref<64xi32, #tpu.memory_space<vmem>>
        %dma_start3A_499 = arith.constant 0 : i32
        %dma_start3A_500 = arith.constant 0 : i32
        %dma_start3A_501 = tpu.memref_slice %arg5[%dma_start3A_499, %dma_start3A_500] : memref<100000x128xf32, #tpu.memory_space<hbm>> -> memref<100000x128xf32, #tpu.memory_space<hbm>>
        tpu.enqueue_indirect_dma source(%dma_start3A_501 : memref<100000x128xf32, #tpu.memory_space<hbm>>) target(%arg21 : memref<64x128xf32, #tpu.memory_space<vmem>>) offsets(%dma_start3A_498 : memref<64xi32, #tpu.memory_space<vmem>>) semaphore(%arg38 : memref<!tpu.dma_semaphore, #tpu.memory_space<semaphore_mem>>)
      } else {
      }
      %lt3A_461 = arith.constant 15 : i32
      %lt3A_462 = arith.cmpi slt, %scan3A_320, %lt3A_461 : i32
      %convert_element_type3A_463 = arith.extui %lt3A_462 : i1 to i32
      %cond3A_464 = arith.constant 0 : i32
      %cond3A_465 = arith.cmpi ne, %convert_element_type3A_463, %cond3A_464 : i32
      scf.if %cond3A_465 {
        %dma_wait3A_486 = arith.constant 0 : i32
        %dma_wait3A_487 = tpu.memref_slice %arg9[%mul3A_2, %dma_wait3A_486] : memref<263168x128xf32, #tpu.memory_space<hbm>> -> memref<64x128xf32, #tpu.memory_space<hbm>>
        %dma_wait3A_488 = arith.constant 0 : i32
        %dma_wait3A_489 = tpu.memref_slice %arg9[%mul3A_2, %dma_wait3A_488] : memref<263168x128xf32, #tpu.memory_space<hbm>> -> memref<64x128xf32, #tpu.memory_space<hbm>>
        tpu.wait_dma2 semaphore(%arg47 : memref<!tpu.dma_semaphore, #tpu.memory_space<semaphore_mem>>) src(%arg22 : memref<64x128xf32, #tpu.memory_space<vmem>>) dst(%dma_wait3A_489 : memref<64x128xf32, #tpu.memory_space<hbm>>)
        %mul3A_490 = arith.constant 8 : i32
        %mul3A_491 = arith.muli %mul3A_490, %scan3A_320 : i32
        %add3A_492 = arith.constant 3 : i32
        %add3A_493 = arith.addi %mul3A_491, %add3A_492 : i32
        %add3A_494 = arith.constant 8 : i32
        %add3A_495 = arith.addi %add3A_493, %add3A_494 : i32
        %mul3A_496 = arith.constant 64 : i32
        %mul3A_497 = arith.muli %add3A_495, %mul3A_496 : i32
        %dma_start3A_498 = tpu.memref_slice %arg18[%mul3A_497] : memref<8192xi32, #tpu.memory_space<vmem>> -> memref<64xi32, #tpu.memory_space<vmem>>
        %dma_start3A_499 = arith.constant 0 : i32
        %dma_start3A_500 = arith.constant 0 : i32
        %dma_start3A_501 = tpu.memref_slice %arg5[%dma_start3A_499, %dma_start3A_500] : memref<100000x128xf32, #tpu.memory_space<hbm>> -> memref<100000x128xf32, #tpu.memory_space<hbm>>
        tpu.enqueue_indirect_dma source(%dma_start3A_501 : memref<100000x128xf32, #tpu.memory_space<hbm>>) target(%arg22 : memref<64x128xf32, #tpu.memory_space<vmem>>) offsets(%dma_start3A_498 : memref<64xi32, #tpu.memory_space<vmem>>) semaphore(%arg39 : memref<!tpu.dma_semaphore, #tpu.memory_space<semaphore_mem>>)
      } else {
      }
      %lt3A_466 = arith.constant 15 : i32
      %lt3A_467 = arith.cmpi slt, %scan3A_320, %lt3A_466 : i32
      %convert_element_type3A_468 = arith.extui %lt3A_467 : i1 to i32
      %cond3A_469 = arith.constant 0 : i32
      %cond3A_470 = arith.cmpi ne, %convert_element_type3A_468, %cond3A_469 : i32
      scf.if %cond3A_470 {
        %dma_wait3A_486 = arith.constant 0 : i32
        %dma_wait3A_487 = tpu.memref_slice %arg9[%mul3A_2, %dma_wait3A_486] : memref<263168x128xf32, #tpu.memory_space<hbm>> -> memref<64x128xf32, #tpu.memory_space<hbm>>
        %dma_wait3A_488 = arith.constant 0 : i32
        %dma_wait3A_489 = tpu.memref_slice %arg9[%mul3A_2, %dma_wait3A_488] : memref<263168x128xf32, #tpu.memory_space<hbm>> -> memref<64x128xf32, #tpu.memory_space<hbm>>
        tpu.wait_dma2 semaphore(%arg48 : memref<!tpu.dma_semaphore, #tpu.memory_space<semaphore_mem>>) src(%arg23 : memref<64x128xf32, #tpu.memory_space<vmem>>) dst(%dma_wait3A_489 : memref<64x128xf32, #tpu.memory_space<hbm>>)
        %mul3A_490 = arith.constant 8 : i32
        %mul3A_491 = arith.muli %mul3A_490, %scan3A_320 : i32
        %add3A_492 = arith.constant 4 : i32
        %add3A_493 = arith.addi %mul3A_491, %add3A_492 : i32
        %add3A_494 = arith.constant 8 : i32
        %add3A_495 = arith.addi %add3A_493, %add3A_494 : i32
        %mul3A_496 = arith.constant 64 : i32
        %mul3A_497 = arith.muli %add3A_495, %mul3A_496 : i32
        %dma_start3A_498 = tpu.memref_slice %arg18[%mul3A_497] : memref<8192xi32, #tpu.memory_space<vmem>> -> memref<64xi32, #tpu.memory_space<vmem>>
        %dma_start3A_499 = arith.constant 0 : i32
        %dma_start3A_500 = arith.constant 0 : i32
        %dma_start3A_501 = tpu.memref_slice %arg5[%dma_start3A_499, %dma_start3A_500] : memref<100000x128xf32, #tpu.memory_space<hbm>> -> memref<100000x128xf32, #tpu.memory_space<hbm>>
        tpu.enqueue_indirect_dma source(%dma_start3A_501 : memref<100000x128xf32, #tpu.memory_space<hbm>>) target(%arg23 : memref<64x128xf32, #tpu.memory_space<vmem>>) offsets(%dma_start3A_498 : memref<64xi32, #tpu.memory_space<vmem>>) semaphore(%arg40 : memref<!tpu.dma_semaphore, #tpu.memory_space<semaphore_mem>>)
      } else {
      }
      %lt3A_471 = arith.constant 15 : i32
      %lt3A_472 = arith.cmpi slt, %scan3A_320, %lt3A_471 : i32
      %convert_element_type3A_473 = arith.extui %lt3A_472 : i1 to i32
      %cond3A_474 = arith.constant 0 : i32
      %cond3A_475 = arith.cmpi ne, %convert_element_type3A_473, %cond3A_474 : i32
      scf.if %cond3A_475 {
        %dma_wait3A_486 = arith.constant 0 : i32
        %dma_wait3A_487 = tpu.memref_slice %arg9[%mul3A_2, %dma_wait3A_486] : memref<263168x128xf32, #tpu.memory_space<hbm>> -> memref<64x128xf32, #tpu.memory_space<hbm>>
        %dma_wait3A_488 = arith.constant 0 : i32
        %dma_wait3A_489 = tpu.memref_slice %arg9[%mul3A_2, %dma_wait3A_488] : memref<263168x128xf32, #tpu.memory_space<hbm>> -> memref<64x128xf32, #tpu.memory_space<hbm>>
        tpu.wait_dma2 semaphore(%arg49 : memref<!tpu.dma_semaphore, #tpu.memory_space<semaphore_mem>>) src(%arg24 : memref<64x128xf32, #tpu.memory_space<vmem>>) dst(%dma_wait3A_489 : memref<64x128xf32, #tpu.memory_space<hbm>>)
        %mul3A_490 = arith.constant 8 : i32
        %mul3A_491 = arith.muli %mul3A_490, %scan3A_320 : i32
        %add3A_492 = arith.constant 5 : i32
        %add3A_493 = arith.addi %mul3A_491, %add3A_492 : i32
        %add3A_494 = arith.constant 8 : i32
        %add3A_495 = arith.addi %add3A_493, %add3A_494 : i32
        %mul3A_496 = arith.constant 64 : i32
        %mul3A_497 = arith.muli %add3A_495, %mul3A_496 : i32
        %dma_start3A_498 = tpu.memref_slice %arg18[%mul3A_497] : memref<8192xi32, #tpu.memory_space<vmem>> -> memref<64xi32, #tpu.memory_space<vmem>>
        %dma_start3A_499 = arith.constant 0 : i32
        %dma_start3A_500 = arith.constant 0 : i32
        %dma_start3A_501 = tpu.memref_slice %arg5[%dma_start3A_499, %dma_start3A_500] : memref<100000x128xf32, #tpu.memory_space<hbm>> -> memref<100000x128xf32, #tpu.memory_space<hbm>>
        tpu.enqueue_indirect_dma source(%dma_start3A_501 : memref<100000x128xf32, #tpu.memory_space<hbm>>) target(%arg24 : memref<64x128xf32, #tpu.memory_space<vmem>>) offsets(%dma_start3A_498 : memref<64xi32, #tpu.memory_space<vmem>>) semaphore(%arg41 : memref<!tpu.dma_semaphore, #tpu.memory_space<semaphore_mem>>)
      } else {
      }
      %lt3A_476 = arith.constant 15 : i32
      %lt3A_477 = arith.cmpi slt, %scan3A_320, %lt3A_476 : i32
      %convert_element_type3A_478 = arith.extui %lt3A_477 : i1 to i32
      %cond3A_479 = arith.constant 0 : i32
      %cond3A_480 = arith.cmpi ne, %convert_element_type3A_478, %cond3A_479 : i32
      scf.if %cond3A_480 {
        %dma_wait3A_486 = arith.constant 0 : i32
        %dma_wait3A_487 = tpu.memref_slice %arg9[%mul3A_2, %dma_wait3A_486] : memref<263168x128xf32, #tpu.memory_space<hbm>> -> memref<64x128xf32, #tpu.memory_space<hbm>>
        %dma_wait3A_488 = arith.constant 0 : i32
        %dma_wait3A_489 = tpu.memref_slice %arg9[%mul3A_2, %dma_wait3A_488] : memref<263168x128xf32, #tpu.memory_space<hbm>> -> memref<64x128xf32, #tpu.memory_space<hbm>>
        tpu.wait_dma2 semaphore(%arg50 : memref<!tpu.dma_semaphore, #tpu.memory_space<semaphore_mem>>) src(%arg25 : memref<64x128xf32, #tpu.memory_space<vmem>>) dst(%dma_wait3A_489 : memref<64x128xf32, #tpu.memory_space<hbm>>)
        %mul3A_490 = arith.constant 8 : i32
        %mul3A_491 = arith.muli %mul3A_490, %scan3A_320 : i32
        %add3A_492 = arith.constant 6 : i32
        %add3A_493 = arith.addi %mul3A_491, %add3A_492 : i32
        %add3A_494 = arith.constant 8 : i32
        %add3A_495 = arith.addi %add3A_493, %add3A_494 : i32
        %mul3A_496 = arith.constant 64 : i32
        %mul3A_497 = arith.muli %add3A_495, %mul3A_496 : i32
        %dma_start3A_498 = tpu.memref_slice %arg18[%mul3A_497] : memref<8192xi32, #tpu.memory_space<vmem>> -> memref<64xi32, #tpu.memory_space<vmem>>
        %dma_start3A_499 = arith.constant 0 : i32
        %dma_start3A_500 = arith.constant 0 : i32
        %dma_start3A_501 = tpu.memref_slice %arg5[%dma_start3A_499, %dma_start3A_500] : memref<100000x128xf32, #tpu.memory_space<hbm>> -> memref<100000x128xf32, #tpu.memory_space<hbm>>
        tpu.enqueue_indirect_dma source(%dma_start3A_501 : memref<100000x128xf32, #tpu.memory_space<hbm>>) target(%arg25 : memref<64x128xf32, #tpu.memory_space<vmem>>) offsets(%dma_start3A_498 : memref<64xi32, #tpu.memory_space<vmem>>) semaphore(%arg42 : memref<!tpu.dma_semaphore, #tpu.memory_space<semaphore_mem>>)
      } else {
      }
      %lt3A_481 = arith.constant 15 : i32
      %lt3A_482 = arith.cmpi slt, %scan3A_320, %lt3A_481 : i32
      %convert_element_type3A_483 = arith.extui %lt3A_482 : i1 to i32
      %cond3A_484 = arith.constant 0 : i32
      %cond3A_485 = arith.cmpi ne, %convert_element_type3A_483, %cond3A_484 : i32
      scf.if %cond3A_485 {
        %dma_wait3A_486 = arith.constant 0 : i32
        %dma_wait3A_487 = tpu.memref_slice %arg9[%mul3A_2, %dma_wait3A_486] : memref<263168x128xf32, #tpu.memory_space<hbm>> -> memref<64x128xf32, #tpu.memory_space<hbm>>
        %dma_wait3A_488 = arith.constant 0 : i32
        %dma_wait3A_489 = tpu.memref_slice %arg9[%mul3A_2, %dma_wait3A_488] : memref<263168x128xf32, #tpu.memory_space<hbm>> -> memref<64x128xf32, #tpu.memory_space<hbm>>
        tpu.wait_dma2 semaphore(%arg51 : memref<!tpu.dma_semaphore, #tpu.memory_space<semaphore_mem>>) src(%arg26 : memref<64x128xf32, #tpu.memory_space<vmem>>) dst(%dma_wait3A_489 : memref<64x128xf32, #tpu.memory_space<hbm>>)
        %mul3A_490 = arith.constant 8 : i32
        %mul3A_491 = arith.muli %mul3A_490, %scan3A_320 : i32
        %add3A_492 = arith.constant 7 : i32
        %add3A_493 = arith.addi %mul3A_491, %add3A_492 : i32
        %add3A_494 = arith.constant 8 : i32
        %add3A_495 = arith.addi %add3A_493, %add3A_494 : i32
        %mul3A_496 = arith.constant 64 : i32
        %mul3A_497 = arith.muli %add3A_495, %mul3A_496 : i32
        %dma_start3A_498 = tpu.memref_slice %arg18[%mul3A_497] : memref<8192xi32, #tpu.memory_space<vmem>> -> memref<64xi32, #tpu.memory_space<vmem>>
        %dma_start3A_499 = arith.constant 0 : i32
        %dma_start3A_500 = arith.constant 0 : i32
        %dma_start3A_501 = tpu.memref_slice %arg5[%dma_start3A_499, %dma_start3A_500] : memref<100000x128xf32, #tpu.memory_space<hbm>> -> memref<100000x128xf32, #tpu.memory_space<hbm>>
        tpu.enqueue_indirect_dma source(%dma_start3A_501 : memref<100000x128xf32, #tpu.memory_space<hbm>>) target(%arg26 : memref<64x128xf32, #tpu.memory_space<vmem>>) offsets(%dma_start3A_498 : memref<64xi32, #tpu.memory_space<vmem>>) semaphore(%arg43 : memref<!tpu.dma_semaphore, #tpu.memory_space<semaphore_mem>>)
      } else {
      }
    }
    %scan3A_197 = arith.constant 16 : i32
    %dma_wait3A_198 = arith.constant 0 : i32
    %dma_wait3A_199 = tpu.memref_slice %arg9[%mul3A_2, %dma_wait3A_198] : memref<263168x128xf32, #tpu.memory_space<hbm>> -> memref<64x128xf32, #tpu.memory_space<hbm>>
    %dma_wait3A_200 = arith.constant 0 : i32
    %dma_wait3A_201 = tpu.memref_slice %arg9[%mul3A_2, %dma_wait3A_200] : memref<263168x128xf32, #tpu.memory_space<hbm>> -> memref<64x128xf32, #tpu.memory_space<hbm>>
    tpu.wait_dma2 semaphore(%arg44 : memref<!tpu.dma_semaphore, #tpu.memory_space<semaphore_mem>>) src(%arg19 : memref<64x128xf32, #tpu.memory_space<vmem>>) dst(%dma_wait3A_201 : memref<64x128xf32, #tpu.memory_space<hbm>>)
    %dma_wait3A_202 = arith.constant 0 : i32
    %dma_wait3A_203 = tpu.memref_slice %arg9[%mul3A_2, %dma_wait3A_202] : memref<263168x128xf32, #tpu.memory_space<hbm>> -> memref<64x128xf32, #tpu.memory_space<hbm>>
    %dma_wait3A_204 = arith.constant 0 : i32
    %dma_wait3A_205 = tpu.memref_slice %arg9[%mul3A_2, %dma_wait3A_204] : memref<263168x128xf32, #tpu.memory_space<hbm>> -> memref<64x128xf32, #tpu.memory_space<hbm>>
    tpu.wait_dma2 semaphore(%arg45 : memref<!tpu.dma_semaphore, #tpu.memory_space<semaphore_mem>>) src(%arg20 : memref<64x128xf32, #tpu.memory_space<vmem>>) dst(%dma_wait3A_205 : memref<64x128xf32, #tpu.memory_space<hbm>>)
    %dma_wait3A_206 = arith.constant 0 : i32
    %dma_wait3A_207 = tpu.memref_slice %arg9[%mul3A_2, %dma_wait3A_206] : memref<263168x128xf32, #tpu.memory_space<hbm>> -> memref<64x128xf32, #tpu.memory_space<hbm>>
    %dma_wait3A_208 = arith.constant 0 : i32
    %dma_wait3A_209 = tpu.memref_slice %arg9[%mul3A_2, %dma_wait3A_208] : memref<263168x128xf32, #tpu.memory_space<hbm>> -> memref<64x128xf32, #tpu.memory_space<hbm>>
    tpu.wait_dma2 semaphore(%arg46 : memref<!tpu.dma_semaphore, #tpu.memory_space<semaphore_mem>>) src(%arg21 : memref<64x128xf32, #tpu.memory_space<vmem>>) dst(%dma_wait3A_209 : memref<64x128xf32, #tpu.memory_space<hbm>>)
    %dma_wait3A_210 = arith.constant 0 : i32
    %dma_wait3A_211 = tpu.memref_slice %arg9[%mul3A_2, %dma_wait3A_210] : memref<263168x128xf32, #tpu.memory_space<hbm>> -> memref<64x128xf32, #tpu.memory_space<hbm>>
    %dma_wait3A_212 = arith.constant 0 : i32
    %dma_wait3A_213 = tpu.memref_slice %arg9[%mul3A_2, %dma_wait3A_212] : memref<263168x128xf32, #tpu.memory_space<hbm>> -> memref<64x128xf32, #tpu.memory_space<hbm>>
    tpu.wait_dma2 semaphore(%arg47 : memref<!tpu.dma_semaphore, #tpu.memory_space<semaphore_mem>>) src(%arg22 : memref<64x128xf32, #tpu.memory_space<vmem>>) dst(%dma_wait3A_213 : memref<64x128xf32, #tpu.memory_space<hbm>>)
    %dma_wait3A_214 = arith.constant 0 : i32
    %dma_wait3A_215 = tpu.memref_slice %arg9[%mul3A_2, %dma_wait3A_214] : memref<263168x128xf32, #tpu.memory_space<hbm>> -> memref<64x128xf32, #tpu.memory_space<hbm>>
    %dma_wait3A_216 = arith.constant 0 : i32
    %dma_wait3A_217 = tpu.memref_slice %arg9[%mul3A_2, %dma_wait3A_216] : memref<263168x128xf32, #tpu.memory_space<hbm>> -> memref<64x128xf32, #tpu.memory_space<hbm>>
    tpu.wait_dma2 semaphore(%arg48 : memref<!tpu.dma_semaphore, #tpu.memory_space<semaphore_mem>>) src(%arg23 : memref<64x128xf32, #tpu.memory_space<vmem>>) dst(%dma_wait3A_217 : memref<64x128xf32, #tpu.memory_space<hbm>>)
    %dma_wait3A_218 = arith.constant 0 : i32
    %dma_wait3A_219 = tpu.memref_slice %arg9[%mul3A_2, %dma_wait3A_218] : memref<263168x128xf32, #tpu.memory_space<hbm>> -> memref<64x128xf32, #tpu.memory_space<hbm>>
    %dma_wait3A_220 = arith.constant 0 : i32
    %dma_wait3A_221 = tpu.memref_slice %arg9[%mul3A_2, %dma_wait3A_220] : memref<263168x128xf32, #tpu.memory_space<hbm>> -> memref<64x128xf32, #tpu.memory_space<hbm>>
    tpu.wait_dma2 semaphore(%arg49 : memref<!tpu.dma_semaphore, #tpu.memory_space<semaphore_mem>>) src(%arg24 : memref<64x128xf32, #tpu.memory_space<vmem>>) dst(%dma_wait3A_221 : memref<64x128xf32, #tpu.memory_space<hbm>>)
    %dma_wait3A_222 = arith.constant 0 : i32
    %dma_wait3A_223 = tpu.memref_slice %arg9[%mul3A_2, %dma_wait3A_222] : memref<263168x128xf32, #tpu.memory_space<hbm>> -> memref<64x128xf32, #tpu.memory_space<hbm>>
    %dma_wait3A_224 = arith.constant 0 : i32
    %dma_wait3A_225 = tpu.memref_slice %arg9[%mul3A_2, %dma_wait3A_224] : memref<263168x128xf32, #tpu.memory_space<hbm>> -> memref<64x128xf32, #tpu.memory_space<hbm>>
    tpu.wait_dma2 semaphore(%arg50 : memref<!tpu.dma_semaphore, #tpu.memory_space<semaphore_mem>>) src(%arg25 : memref<64x128xf32, #tpu.memory_space<vmem>>) dst(%dma_wait3A_225 : memref<64x128xf32, #tpu.memory_space<hbm>>)
    %dma_wait3A_226 = arith.constant 0 : i32
    %dma_wait3A_227 = tpu.memref_slice %arg9[%mul3A_2, %dma_wait3A_226] : memref<263168x128xf32, #tpu.memory_space<hbm>> -> memref<64x128xf32, #tpu.memory_space<hbm>>
    %dma_wait3A_228 = arith.constant 0 : i32
    %dma_wait3A_229 = tpu.memref_slice %arg9[%mul3A_2, %dma_wait3A_228] : memref<263168x128xf32, #tpu.memory_space<hbm>> -> memref<64x128xf32, #tpu.memory_space<hbm>>
    tpu.wait_dma2 semaphore(%arg51 : memref<!tpu.dma_semaphore, #tpu.memory_space<semaphore_mem>>) src(%arg26 : memref<64x128xf32, #tpu.memory_space<vmem>>) dst(%dma_wait3A_229 : memref<64x128xf32, #tpu.memory_space<hbm>>)
    %dma_wait3A_230 = arith.constant 0 : i32
    %dma_wait3A_231 = arith.constant 0 : i32
    %dma_wait3A_232 = tpu.memref_slice %arg5[%dma_wait3A_230, %dma_wait3A_231] : memref<100000x128xf32, #tpu.memory_space<hbm>> -> memref<100000x128xf32, #tpu.memory_space<hbm>>
    tpu.wait_indirect_dma semaphore(%arg52 : memref<!tpu.dma_semaphore, #tpu.memory_space<semaphore_mem>>) src(%dma_wait3A_232 : memref<100000x128xf32, #tpu.memory_space<hbm>>) dst(%arg30 : memref<32x128xf32, #tpu.memory_space<vmem>>)
    %dma_wait3A_233 = arith.constant 0 : i32
    %dma_wait3A_234 = arith.constant 0 : i32
    %dma_wait3A_235 = tpu.memref_slice %arg5[%dma_wait3A_233, %dma_wait3A_234] : memref<100000x128xf32, #tpu.memory_space<hbm>> -> memref<100000x128xf32, #tpu.memory_space<hbm>>
    tpu.wait_indirect_dma semaphore(%arg52 : memref<!tpu.dma_semaphore, #tpu.memory_space<semaphore_mem>>) src(%dma_wait3A_235 : memref<100000x128xf32, #tpu.memory_space<hbm>>) dst(%arg30 : memref<32x128xf32, #tpu.memory_space<vmem>>)
    %dma_wait3A_236 = arith.constant 0 : i32
    %dma_wait3A_237 = arith.constant 0 : i32
    %dma_wait3A_238 = tpu.memref_slice %arg5[%dma_wait3A_236, %dma_wait3A_237] : memref<100000x128xf32, #tpu.memory_space<hbm>> -> memref<100000x128xf32, #tpu.memory_space<hbm>>
    tpu.wait_indirect_dma semaphore(%arg52 : memref<!tpu.dma_semaphore, #tpu.memory_space<semaphore_mem>>) src(%dma_wait3A_238 : memref<100000x128xf32, #tpu.memory_space<hbm>>) dst(%arg30 : memref<32x128xf32, #tpu.memory_space<vmem>>)
    %dma_wait3A_239 = arith.constant 0 : i32
    %dma_wait3A_240 = arith.constant 0 : i32
    %dma_wait3A_241 = tpu.memref_slice %arg5[%dma_wait3A_239, %dma_wait3A_240] : memref<100000x128xf32, #tpu.memory_space<hbm>> -> memref<100000x128xf32, #tpu.memory_space<hbm>>
    tpu.wait_indirect_dma semaphore(%arg52 : memref<!tpu.dma_semaphore, #tpu.memory_space<semaphore_mem>>) src(%dma_wait3A_241 : memref<100000x128xf32, #tpu.memory_space<hbm>>) dst(%arg30 : memref<32x128xf32, #tpu.memory_space<vmem>>)
    %dma_wait3A_242 = arith.constant 0 : i32
    %dma_wait3A_243 = arith.constant 0 : i32
    %dma_wait3A_244 = tpu.memref_slice %arg5[%dma_wait3A_242, %dma_wait3A_243] : memref<100000x128xf32, #tpu.memory_space<hbm>> -> memref<100000x128xf32, #tpu.memory_space<hbm>>
    tpu.wait_indirect_dma semaphore(%arg52 : memref<!tpu.dma_semaphore, #tpu.memory_space<semaphore_mem>>) src(%dma_wait3A_244 : memref<100000x128xf32, #tpu.memory_space<hbm>>) dst(%arg30 : memref<32x128xf32, #tpu.memory_space<vmem>>)
    %dma_wait3A_245 = arith.constant 0 : i32
    %dma_wait3A_246 = arith.constant 0 : i32
    %dma_wait3A_247 = tpu.memref_slice %arg5[%dma_wait3A_245, %dma_wait3A_246] : memref<100000x128xf32, #tpu.memory_space<hbm>> -> memref<100000x128xf32, #tpu.memory_space<hbm>>
    tpu.wait_indirect_dma semaphore(%arg52 : memref<!tpu.dma_semaphore, #tpu.memory_space<semaphore_mem>>) src(%dma_wait3A_247 : memref<100000x128xf32, #tpu.memory_space<hbm>>) dst(%arg30 : memref<32x128xf32, #tpu.memory_space<vmem>>)
    %dma_start3A_248 = arith.constant 0 : i32
    %dma_start3A_249 = tpu.memref_slice %arg9[%add3A_6, %dma_start3A_248] : memref<263168x128xf32, #tpu.memory_space<hbm>> -> memref<32x128xf32, #tpu.memory_space<hbm>>
    %dma_start3A_250 = arith.constant 0 : i32
    %dma_start3A_251 = tpu.memref_slice %arg9[%add3A_6, %dma_start3A_250] : memref<263168x128xf32, #tpu.memory_space<hbm>> -> memref<32x128xf32, #tpu.memory_space<hbm>>
    tpu.enqueue_dma source(%arg30 : memref<32x128xf32, #tpu.memory_space<vmem>>) target(%dma_start3A_251 : memref<32x128xf32, #tpu.memory_space<hbm>>) target_semaphore(%arg53 : memref<!tpu.dma_semaphore, #tpu.memory_space<semaphore_mem>>)
    %dma_start3A_252 = arith.constant 0 : i32
    %dma_start3A_253 = tpu.memref_slice %arg10[%add3A_6, %dma_start3A_252] : memref<263168x128xf32, #tpu.memory_space<hbm>> -> memref<32x128xf32, #tpu.memory_space<hbm>>
    %dma_start3A_254 = arith.constant 0 : i32
    %dma_start3A_255 = tpu.memref_slice %arg10[%add3A_6, %dma_start3A_254] : memref<263168x128xf32, #tpu.memory_space<hbm>> -> memref<32x128xf32, #tpu.memory_space<hbm>>
    tpu.enqueue_dma source(%arg31 : memref<32x128xf32, #tpu.memory_space<vmem>>) target(%dma_start3A_255 : memref<32x128xf32, #tpu.memory_space<hbm>>) target_semaphore(%arg53 : memref<!tpu.dma_semaphore, #tpu.memory_space<semaphore_mem>>)
    %dma_start3A_256 = arith.constant 0 : i32
    %dma_start3A_257 = tpu.memref_slice %arg11[%add3A_6, %dma_start3A_256] : memref<263168x128xf32, #tpu.memory_space<hbm>> -> memref<32x128xf32, #tpu.memory_space<hbm>>
    %dma_start3A_258 = arith.constant 0 : i32
    %dma_start3A_259 = tpu.memref_slice %arg11[%add3A_6, %dma_start3A_258] : memref<263168x128xf32, #tpu.memory_space<hbm>> -> memref<32x128xf32, #tpu.memory_space<hbm>>
    tpu.enqueue_dma source(%arg31 : memref<32x128xf32, #tpu.memory_space<vmem>>) target(%dma_start3A_259 : memref<32x128xf32, #tpu.memory_space<hbm>>) target_semaphore(%arg53 : memref<!tpu.dma_semaphore, #tpu.memory_space<semaphore_mem>>)
    %dma_start3A_260 = arith.constant 0 : i32
    %dma_start3A_261 = tpu.memref_slice %arg12[%mul3A_8, %dma_start3A_260] : memref<1024x128xf32, #tpu.memory_space<hbm>> -> memref<32x128xf32, #tpu.memory_space<hbm>>
    %dma_start3A_262 = arith.constant 0 : i32
    %dma_start3A_263 = tpu.memref_slice %arg12[%mul3A_8, %dma_start3A_262] : memref<1024x128xf32, #tpu.memory_space<hbm>> -> memref<32x128xf32, #tpu.memory_space<hbm>>
    tpu.enqueue_dma source(%arg32 : memref<32x128xf32, #tpu.memory_space<vmem>>) target(%dma_start3A_263 : memref<32x128xf32, #tpu.memory_space<hbm>>) target_semaphore(%arg53 : memref<!tpu.dma_semaphore, #tpu.memory_space<semaphore_mem>>)
    %dma_start3A_264 = arith.constant 0 : i32
    %dma_start3A_265 = tpu.memref_slice %arg13[%mul3A_8, %dma_start3A_264] : memref<1024x128xf32, #tpu.memory_space<hbm>> -> memref<32x128xf32, #tpu.memory_space<hbm>>
    %dma_start3A_266 = arith.constant 0 : i32
    %dma_start3A_267 = tpu.memref_slice %arg13[%mul3A_8, %dma_start3A_266] : memref<1024x128xf32, #tpu.memory_space<hbm>> -> memref<32x128xf32, #tpu.memory_space<hbm>>
    tpu.enqueue_dma source(%arg33 : memref<32x128xf32, #tpu.memory_space<vmem>>) target(%dma_start3A_267 : memref<32x128xf32, #tpu.memory_space<hbm>>) target_semaphore(%arg53 : memref<!tpu.dma_semaphore, #tpu.memory_space<semaphore_mem>>)
    %dma_start3A_268 = arith.constant 0 : i32
    %dma_start3A_269 = tpu.memref_slice %arg14[%mul3A_8, %dma_start3A_268] : memref<1024x128xf32, #tpu.memory_space<hbm>> -> memref<32x128xf32, #tpu.memory_space<hbm>>
    %dma_start3A_270 = arith.constant 0 : i32
    %dma_start3A_271 = tpu.memref_slice %arg14[%mul3A_8, %dma_start3A_270] : memref<1024x128xf32, #tpu.memory_space<hbm>> -> memref<32x128xf32, #tpu.memory_space<hbm>>
    tpu.enqueue_dma source(%arg33 : memref<32x128xf32, #tpu.memory_space<vmem>>) target(%dma_start3A_271 : memref<32x128xf32, #tpu.memory_space<hbm>>) target_semaphore(%arg53 : memref<!tpu.dma_semaphore, #tpu.memory_space<semaphore_mem>>)
    %dma_start3A_272 = arith.constant 0 : i32
    %dma_start3A_273 = tpu.memref_slice %arg15[%mul3A_8, %dma_start3A_272] : memref<1024x128xf32, #tpu.memory_space<hbm>> -> memref<32x128xf32, #tpu.memory_space<hbm>>
    %dma_start3A_274 = arith.constant 0 : i32
    %dma_start3A_275 = tpu.memref_slice %arg15[%mul3A_8, %dma_start3A_274] : memref<1024x128xf32, #tpu.memory_space<hbm>> -> memref<32x128xf32, #tpu.memory_space<hbm>>
    tpu.enqueue_dma source(%arg34 : memref<32x128xf32, #tpu.memory_space<vmem>>) target(%dma_start3A_275 : memref<32x128xf32, #tpu.memory_space<hbm>>) target_semaphore(%arg53 : memref<!tpu.dma_semaphore, #tpu.memory_space<semaphore_mem>>)
    %dma_start3A_276 = arith.constant 0 : i32
    %dma_start3A_277 = tpu.memref_slice %arg16[%mul3A_8, %dma_start3A_276] : memref<1024x128xf32, #tpu.memory_space<hbm>> -> memref<32x128xf32, #tpu.memory_space<hbm>>
    %dma_start3A_278 = arith.constant 0 : i32
    %dma_start3A_279 = tpu.memref_slice %arg16[%mul3A_8, %dma_start3A_278] : memref<1024x128xf32, #tpu.memory_space<hbm>> -> memref<32x128xf32, #tpu.memory_space<hbm>>
    tpu.enqueue_dma source(%arg35 : memref<32x128xf32, #tpu.memory_space<vmem>>) target(%dma_start3A_279 : memref<32x128xf32, #tpu.memory_space<hbm>>) target_semaphore(%arg53 : memref<!tpu.dma_semaphore, #tpu.memory_space<semaphore_mem>>)
    %dma_start3A_280 = arith.constant 0 : i32
    %dma_start3A_281 = tpu.memref_slice %arg17[%mul3A_8, %dma_start3A_280] : memref<1024x128xf32, #tpu.memory_space<hbm>> -> memref<32x128xf32, #tpu.memory_space<hbm>>
    %dma_start3A_282 = arith.constant 0 : i32
    %dma_start3A_283 = tpu.memref_slice %arg17[%mul3A_8, %dma_start3A_282] : memref<1024x128xf32, #tpu.memory_space<hbm>> -> memref<32x128xf32, #tpu.memory_space<hbm>>
    tpu.enqueue_dma source(%arg35 : memref<32x128xf32, #tpu.memory_space<vmem>>) target(%dma_start3A_283 : memref<32x128xf32, #tpu.memory_space<hbm>>) target_semaphore(%arg53 : memref<!tpu.dma_semaphore, #tpu.memory_space<semaphore_mem>>)
    %dma_wait3A_284 = arith.constant 0 : i32
    %dma_wait3A_285 = tpu.memref_slice %arg9[%add3A_6, %dma_wait3A_284] : memref<263168x128xf32, #tpu.memory_space<hbm>> -> memref<32x128xf32, #tpu.memory_space<hbm>>
    %dma_wait3A_286 = arith.constant 0 : i32
    %dma_wait3A_287 = tpu.memref_slice %arg9[%add3A_6, %dma_wait3A_286] : memref<263168x128xf32, #tpu.memory_space<hbm>> -> memref<32x128xf32, #tpu.memory_space<hbm>>
    tpu.wait_dma2 semaphore(%arg53 : memref<!tpu.dma_semaphore, #tpu.memory_space<semaphore_mem>>) src(%arg30 : memref<32x128xf32, #tpu.memory_space<vmem>>) dst(%dma_wait3A_287 : memref<32x128xf32, #tpu.memory_space<hbm>>)
    %dma_wait3A_288 = arith.constant 0 : i32
    %dma_wait3A_289 = tpu.memref_slice %arg9[%add3A_6, %dma_wait3A_288] : memref<263168x128xf32, #tpu.memory_space<hbm>> -> memref<32x128xf32, #tpu.memory_space<hbm>>
    %dma_wait3A_290 = arith.constant 0 : i32
    %dma_wait3A_291 = tpu.memref_slice %arg9[%add3A_6, %dma_wait3A_290] : memref<263168x128xf32, #tpu.memory_space<hbm>> -> memref<32x128xf32, #tpu.memory_space<hbm>>
    tpu.wait_dma2 semaphore(%arg53 : memref<!tpu.dma_semaphore, #tpu.memory_space<semaphore_mem>>) src(%arg30 : memref<32x128xf32, #tpu.memory_space<vmem>>) dst(%dma_wait3A_291 : memref<32x128xf32, #tpu.memory_space<hbm>>)
    %dma_wait3A_292 = arith.constant 0 : i32
    %dma_wait3A_293 = tpu.memref_slice %arg9[%add3A_6, %dma_wait3A_292] : memref<263168x128xf32, #tpu.memory_space<hbm>> -> memref<32x128xf32, #tpu.memory_space<hbm>>
    %dma_wait3A_294 = arith.constant 0 : i32
    %dma_wait3A_295 = tpu.memref_slice %arg9[%add3A_6, %dma_wait3A_294] : memref<263168x128xf32, #tpu.memory_space<hbm>> -> memref<32x128xf32, #tpu.memory_space<hbm>>
    tpu.wait_dma2 semaphore(%arg53 : memref<!tpu.dma_semaphore, #tpu.memory_space<semaphore_mem>>) src(%arg30 : memref<32x128xf32, #tpu.memory_space<vmem>>) dst(%dma_wait3A_295 : memref<32x128xf32, #tpu.memory_space<hbm>>)
    %dma_wait3A_296 = arith.constant 0 : i32
    %dma_wait3A_297 = tpu.memref_slice %arg9[%add3A_6, %dma_wait3A_296] : memref<263168x128xf32, #tpu.memory_space<hbm>> -> memref<32x128xf32, #tpu.memory_space<hbm>>
    %dma_wait3A_298 = arith.constant 0 : i32
    %dma_wait3A_299 = tpu.memref_slice %arg9[%add3A_6, %dma_wait3A_298] : memref<263168x128xf32, #tpu.memory_space<hbm>> -> memref<32x128xf32, #tpu.memory_space<hbm>>
    tpu.wait_dma2 semaphore(%arg53 : memref<!tpu.dma_semaphore, #tpu.memory_space<semaphore_mem>>) src(%arg30 : memref<32x128xf32, #tpu.memory_space<vmem>>) dst(%dma_wait3A_299 : memref<32x128xf32, #tpu.memory_space<hbm>>)
    %dma_wait3A_300 = arith.constant 0 : i32
    %dma_wait3A_301 = tpu.memref_slice %arg9[%add3A_6, %dma_wait3A_300] : memref<263168x128xf32, #tpu.memory_space<hbm>> -> memref<32x128xf32, #tpu.memory_space<hbm>>
    %dma_wait3A_302 = arith.constant 0 : i32
    %dma_wait3A_303 = tpu.memref_slice %arg9[%add3A_6, %dma_wait3A_302] : memref<263168x128xf32, #tpu.memory_space<hbm>> -> memref<32x128xf32, #tpu.memory_space<hbm>>
    tpu.wait_dma2 semaphore(%arg53 : memref<!tpu.dma_semaphore, #tpu.memory_space<semaphore_mem>>) src(%arg30 : memref<32x128xf32, #tpu.memory_space<vmem>>) dst(%dma_wait3A_303 : memref<32x128xf32, #tpu.memory_space<hbm>>)
    %dma_wait3A_304 = arith.constant 0 : i32
    %dma_wait3A_305 = tpu.memref_slice %arg9[%add3A_6, %dma_wait3A_304] : memref<263168x128xf32, #tpu.memory_space<hbm>> -> memref<32x128xf32, #tpu.memory_space<hbm>>
    %dma_wait3A_306 = arith.constant 0 : i32
    %dma_wait3A_307 = tpu.memref_slice %arg9[%add3A_6, %dma_wait3A_306] : memref<263168x128xf32, #tpu.memory_space<hbm>> -> memref<32x128xf32, #tpu.memory_space<hbm>>
    tpu.wait_dma2 semaphore(%arg53 : memref<!tpu.dma_semaphore, #tpu.memory_space<semaphore_mem>>) src(%arg30 : memref<32x128xf32, #tpu.memory_space<vmem>>) dst(%dma_wait3A_307 : memref<32x128xf32, #tpu.memory_space<hbm>>)
    %dma_wait3A_308 = arith.constant 0 : i32
    %dma_wait3A_309 = tpu.memref_slice %arg9[%add3A_6, %dma_wait3A_308] : memref<263168x128xf32, #tpu.memory_space<hbm>> -> memref<32x128xf32, #tpu.memory_space<hbm>>
    %dma_wait3A_310 = arith.constant 0 : i32
    %dma_wait3A_311 = tpu.memref_slice %arg9[%add3A_6, %dma_wait3A_310] : memref<263168x128xf32, #tpu.memory_space<hbm>> -> memref<32x128xf32, #tpu.memory_space<hbm>>
    tpu.wait_dma2 semaphore(%arg53 : memref<!tpu.dma_semaphore, #tpu.memory_space<semaphore_mem>>) src(%arg30 : memref<32x128xf32, #tpu.memory_space<vmem>>) dst(%dma_wait3A_311 : memref<32x128xf32, #tpu.memory_space<hbm>>)
    %dma_wait3A_312 = arith.constant 0 : i32
    %dma_wait3A_313 = tpu.memref_slice %arg9[%add3A_6, %dma_wait3A_312] : memref<263168x128xf32, #tpu.memory_space<hbm>> -> memref<32x128xf32, #tpu.memory_space<hbm>>
    %dma_wait3A_314 = arith.constant 0 : i32
    %dma_wait3A_315 = tpu.memref_slice %arg9[%add3A_6, %dma_wait3A_314] : memref<263168x128xf32, #tpu.memory_space<hbm>> -> memref<32x128xf32, #tpu.memory_space<hbm>>
    tpu.wait_dma2 semaphore(%arg53 : memref<!tpu.dma_semaphore, #tpu.memory_space<semaphore_mem>>) src(%arg30 : memref<32x128xf32, #tpu.memory_space<vmem>>) dst(%dma_wait3A_315 : memref<32x128xf32, #tpu.memory_space<hbm>>)
    %dma_wait3A_316 = arith.constant 0 : i32
    %dma_wait3A_317 = tpu.memref_slice %arg9[%add3A_6, %dma_wait3A_316] : memref<263168x128xf32, #tpu.memory_space<hbm>> -> memref<32x128xf32, #tpu.memory_space<hbm>>
    %dma_wait3A_318 = arith.constant 0 : i32
    %dma_wait3A_319 = tpu.memref_slice %arg9[%add3A_6, %dma_wait3A_318] : memref<263168x128xf32, #tpu.memory_space<hbm>> -> memref<32x128xf32, #tpu.memory_space<hbm>>
    tpu.wait_dma2 semaphore(%arg53 : memref<!tpu.dma_semaphore, #tpu.memory_space<semaphore_mem>>) src(%arg30 : memref<32x128xf32, #tpu.memory_space<vmem>>) dst(%dma_wait3A_319 : memref<32x128xf32, #tpu.memory_space<hbm>>)
    return
  }
}

</mosaic_0001>

<sc_bundles>
// kernel: kernel.3.cloned.1.call-start
scs
__scs_entry_jumppad:
0x0: {  	(pc) =	sbr.rel $0x88, $3  }
0x1: {  	(tag) =	ssettag $0x0;
	lr =	simm.s32 $0x1  }
0x2: {  	[smem:$0x3F9B] =	sst lr;
	_ =	strace $0xD0000000  }
0x3: {  	_ = 	snop  }
0x4: {  	_ = 	snop  }
0x5: {  	_ = 	snop  }
0x6: {  	_ = 	snop  }
0x7: {  	_ = 	snop  }
__scs_overlays_trampoline_lowered:
0x8: {  	[smem:$0x3FAA] =	sst s0  }
0x9: {  	[smem:$0x3FAB] =	sst s1  }
0xa: {  	[smem:$0x3FAC] =	sst s2  }
0xb: {  	[smem:$0x3FAD] =	sst s3  }
0xc: {  	[smem:$0x3FAE] =	sst s4  }
0xd: {  	[smem:$0x3FAF] =	sst s5  }
0xe: {  	[smem:$0x3FB0] =	sst s6  }
0xf: {  	[smem:$0x3FB1] =	sst s7  }
0x10: {  	[smem:$0x3FB2] =	sst s8  }
0x11: {  	[smem:$0x3FB3] =	sst s9;
	s0 =	simm.s32 @!p0 $0x0  }
0x12: {  	s1 =	sld [smem:$0x3F99];
	s0 =	simm.s32 @p0 $0x1  }
0x13: {  	[smem:$0x3FB4] =	sst s0;
	s0 =	simm.s32 @!p1 $0x0  }
0x14: {  	s2 =	sld [smem:$0x3F98];
	s0 =	simm.s32 @p1 $0x1  }
0x15: {  	[smem:$0x3FB5] =	sst s0;
	s0 =	simm.s32 @!p2 $0x0  }
0x16: {  	s3 =	sld [smem:$0x3FDB];
	s0 =	simm.s32 @p2 $0x1  }
0x17: {  	s4 =	simm.s32 $0x1BF5;
	[smem:$0x3FB7] =	sst s0  }
0x18: {  	s0 =	sld [smem:$0x3F9A];
	_ =	swait.ge [sflag:s4], $0x0  }
0x19: {  	s7 =	sld [smem:$0x3F9B]  }
0x1a: {  	s8 =	sadd.s32 $0xFFFFE003, lr  }
0x1b: {  	s9 =	sadd.s32 $0xFFFFFEF7, lr;
	s5 =	simm.s32 $0xFFFFFFFF;
	p2 =	slt.u32 s8, $0xFFFFF086  }
0x1c: {  	p1 =	slt.u32 s9, $0xF7A;
	s5 =	simm.s32 @!p2 $0x0  }
0x1d: {  	s5 =	simm.s32 @p1 $0x1;
	p0 =	seq.s32 s7, s2  }
0x1e: {  	s7 =	smul.u32 @!p0 $0xF7A, s2;
	p2 =	seq.s32 @!p0 s5, $0x0  }
0x1f: {  	s9 =	smul.u32 $0xF7A, s1;
	s8 =	simm.s32 @!p0 $0x1BF5;
	p2 =	por !p2, p0  }
0x20: {  	[sflag:s8] =	ssyncset.s32 @!p0 $0xFFFFF086;
	s6 =	sadd.s32 @!p0 s3, s7;
	s7 =	simm.s32 @!p0 $0x108  }
0x21: {  	s3 =	sadd.s32 s3, s9;
	s6 =	sadd.s32 @!p0 $0x88, s6;
	s7 =	simm.s32 @p2 $0x1082  }
0x22: {  	[simem:s7], [sflag:s8] =	dma.local @!p0 [hbm:s6], $0xF7A  }
0x23: {  	s9 =	sor.u32 $0xD0000000, s2;
	s6 =	simm.s32 $0x108;
	_ =	swait.ge @!p0 [sflag:s8], $0x0  }
0x24: {  	s3 =	sadd.s32 $0x88, s3;
	s6 =	simm.s32 @!p1 $0x1082;
	[sflag:s4] =	ssyncset.s32 $0xFFFFF086  }
0x25: {  	[simem:s6], [sflag:s4] =	dma.local [hbm:s3], $0xF7A  }
0x26: {  	[smem:$0x3F9B] =	sst s1;
	(tag) =	ssettag s2;
	_ =	strace s9  }
0x27: {  	s1 =	sld [smem:$0x3FAB]  }
0x28: {  	s2 =	sld [smem:$0x3FAC]  }
0x29: {  	s4 =	sld [smem:$0x3FAE]  }
0x2a: {  	p0 =	seq.s32 s5, $0x0;
	s5 =	sld [smem:$0x3FAF]  }
0x2b: {  	s6 =	sld [smem:$0x3FB0]  }
0x2c: {  	s7 =	sld [smem:$0x3FB1]  }
0x2d: {  	s3 =	simm.s32 $0x108;
	s8 =	sld [smem:$0x3FB2]  }
0x2e: {  	s3 =	simm.s32 @!p0 $0x1082;
	s9 =	sld [smem:$0x3FB3]  }
0x2f: {  	lr =	sadd.s32 s0, s3;
	s0 =	sld [smem:$0x3FAA]  }
0x30: {  	s3 =	sld [smem:$0x3FAD]  }
0x31: {  	[smem:$0x3FB6] =	sst s10  }
0x32: {  	s10 =	sld [smem:$0x3FB4];
	_ =	sdelay $0x3  }
0x33: {  	p0 =	seq.s32 s10, $0x1;
	s10 =	sld [smem:$0x3FB6];
	_ =	sdelay $0x3  }
0x34: {  	[smem:$0x3FB6] =	sst s10  }
0x35: {  	s10 =	sld [smem:$0x3FB5];
	_ =	sdelay $0x3  }
0x36: {  	p1 =	seq.s32 s10, $0x1;
	s10 =	sld [smem:$0x3FB6];
	_ =	sdelay $0x3  }
0x37: {  	[smem:$0x3FB6] =	sst s10  }
0x38: {  	s10 =	sld [smem:$0x3FB7]  }
0x39: {  	_ = 	snop;
	(pc) =	sbr.ind lr, $3  }
0x3a: {  	_ = 	snop  }
0x3b: {  	_ = 	snop  }
0x3c: {  	p2 =	seq.s32 s10, $0x1;
	s10 =	sld [smem:$0x3FB6]  }
0x3d: {  	_ =	shalt  }
0x3e: {  	_ =	shalt  }
0x3f: {  	_ =	shalt  }
0x40: {  	_ =	shalt  }
0x41: {  	_ =	shalt  }
0x42: {  	_ =	shalt  }
0x43: {  	_ =	shalt  }
0x44: {  	_ =	shalt  }
0x45: {  	_ =	shalt  }
0x46: {  	_ =	shalt  }
0x47: {  	_ =	shalt  }
0x48: {  	_ =	shalt  }
0x49: {  	_ =	shalt  }
0x4a: {  	_ =	shalt  }
0x4b: {  	_ =	shalt  }
0x4c: {  	_ =	shalt  }
0x4d: {  	_ =	shalt  }
0x4e: {  	_ =	shalt  }
0x4f: {  	_ =	shalt  }
0x50: {  	_ =	shalt  }
0x51: {  	_ =	shalt  }
0x52: {  	_ =	shalt  }
0x53: {  	_ =	shalt  }
0x54: {  	_ =	shalt  }
0x55: {  	_ =	shalt  }
0x56: {  	_ =	shalt  }
0x57: {  	_ =	shalt  }
0x58: {  	_ =	shalt  }
0x59: {  	_ =	shalt  }
0x5a: {  	_ =	shalt  }
0x5b: {  	_ =	shalt  }
0x5c: {  	_ =	shalt  }
0x5d: {  	_ =	shalt  }
0x5e: {  	_ =	shalt  }
0x5f: {  	_ =	shalt  }
0x60: {  	_ =	shalt  }
0x61: {  	_ =	shalt  }
0x62: {  	_ =	shalt  }
0x63: {  	_ =	shalt  }
0x64: {  	_ =	shalt  }
0x65: {  	_ =	shalt  }
0x66: {  	_ =	shalt  }
0x67: {  	_ =	shalt  }
0x68: {  	_ =	shalt  }
0x69: {  	_ =	shalt  }
0x6a: {  	_ =	shalt  }
0x6b: {  	_ =	shalt  }
0x6c: {  	_ =	shalt  }
0x6d: {  	_ =	shalt  }
0x6e: {  	_ =	shalt  }
0x6f: {  	_ =	shalt  }
0x70: {  	_ =	shalt  }
0x71: {  	_ =	shalt  }
0x72: {  	_ =	shalt  }
0x73: {  	_ =	shalt  }
0x74: {  	_ =	shalt  }
0x75: {  	_ =	shalt  }
0x76: {  	_ =	shalt  }
0x77: {  	_ =	shalt  }
0x78: {  	_ =	shalt  }
0x79: {  	_ =	shalt  }
0x7a: {  	_ =	shalt  }
0x7b: {  	_ =	shalt  }
0x7c: {  	_ =	shalt  }
0x7d: {  	_ =	shalt  }
0x7e: {  	_ =	shalt  }
0x7f: {  	_ =	shalt  }
0x80: {  	_ =	shalt  }
0x81: {  	_ =	shalt  }
0x82: {  	_ =	shalt  }
0x83: {  	_ =	shalt  }
0x84: {  	_ =	shalt  }
0x85: {  	_ =	shalt  }
0x86: {  	_ =	shalt  }
0x87: {  	_ =	shalt  }
.Lfunc_end0:
.L_simem_size_0:
called_computation_lowered:
.L_overlay_start_0:
0x88: {  	s2 =	sld [smem:$0x3FD9]  }
0x89: {  	s3 =	sld [smem:$0x3FFE];
	_ =	sdelay $0x1  }
0x8a: {  	s1 =	srdreg.scid  }
0x8b: {  	s0 =	sand.u32 $0x1, s1  }
0x8c: {  	s23 =	sshll.u32 s0, $0xA;
	s2 =	sadd.s32 s3, s2  }
0x8d: {  	s2 =	sadd.s32 s2, s23  }
0x8e: {  	[smem:$0x3FC2] =	sst s2  }
0x8f: {  	_ = 	snop  }
0x90: {  	s3 =	sld [smem:$0x3FC7]  }
0x91: {  	s14 =	sld [smem:$0x3FD0]  }
0x92: {  	s4 =	sld [smem:$0x3FC6]  }
0x93: {  	s7 =	sld [smem:$0x3FC5]  }
0x94: {  	s15 =	simm.s32 $0xA;
	s16 =	simm.s32 $0x10;
	s5 =	sld [smem:$0x3FC4]  }
0x95: {  	[smem:s16], [sflag:s15] =	dma.local [hbm:s14], $0x1  }
0x96: {  	_ =	swait.eq [sflag:s15], $0x1  }
0x97: {  	s6 =	sld [smem:$0x10]  }
0x98: {  	s2 =	sld [smem:$0x11]  }
0x99: {  	s10 =	sld [smem:$0x12]  }
0x9a: {  	s9 =	sld [smem:$0x13]  }
0x9b: {  	s8 =	sld [smem:$0x14]  }
0x9c: {  	s13 =	sld [smem:$0x15];
	[sflag:s15] =	ssyncset.done $0x0  }
0x9d: {  	s12 =	sld [smem:$0x16];
	[sflag:s15] =	ssyncadd.s32 $0xFFFFFFFF  }
0x9e: {  	s14 =	sadd.s32 $0x1, s14;
	s11 =	sld [smem:$0x17]  }
0x9f: {  	[smem:s16], [sflag:s15] =	dma.local [hbm:s14], $0x1  }
0xa0: {  	_ =	swait.eq [sflag:s15], $0x1  }
0xa1: {  	[sflag:s15] =	ssyncset.done $0x0  }
0xa2: {  	[sflag:s15] =	ssyncadd.s32 $0xFFFFFFFF  }
0xa3: {  	s14 =	sld [smem:$0x10];
	(tm) =	ssettm $0x1  }
0xa4: {  	s24 =	sld [smem:$0x3FFB];
	_ =	sdelay $0x3  }
0xa5: {  	_ =	strace s24  }
0xa6: {  	s15 =	sld [smem:$0x3FFC];
	_ =	sdelay $0x3  }
0xa7: {  	_ =	strace s15  }
0xa8: {  	s15 =	sld [smem:$0x3FFD];
	_ =	sdelay $0x3  }
0xa9: {  	_ =	strace s15  }
0xaa: {  	_ =	strace $0x8FFFFFFF  }
0xab: {  	s25 =	sld [smem:$0x3FDB];
	_ =	sdelay $0x1  }
0xac: {  	s26 =	simm.s32 $_scs_section_size  }
0xad: {  	s17 =	simm.s32 $_size__tile_task_arg_handler_lowered;
	s18 =	simm.s32 $_tile_task_arg_handler_lowered  }
0xae: {  	s30 =	simm.s32 $0x1BFF;
	s29 =	sshll.u32 s18, $0x1;
	s16 =	sadd.s32 s26, s25  }
0xaf: {  	s19 =	simm.s32 $0x60;
	s28 =	sshll.u32 s17, $0x1;
	s17 =	sadd.s32 s29, s16  }
0xb0: {  	[timem:s19], [sflag:s30] =	dma.local [hbm:s17], s28  }
0xb1: {  	_ =	swait.ge [sflag:s30], s28  }
0xb2: {  	s31 =	simm.s32 $_tile_overlayer_lowered;
	s15 =	ssub.s32 $0x0, s28;
	[sflag:s30] =	ssyncset.done $0x0  }
0xb3: {  	s19 =	simm.s32 $_size__tile_overlayer_lowered;
	s17 =	sshll.u32 s31, $0x1;
	[sflag:s30] =	ssyncadd.s32 s15  }
0xb4: {  	s21 =	simm.s32 $0x0;
	s20 =	sshll.u32 s19, $0x1;
	s17 =	sadd.s32 s17, s16  }
0xb5: {  	[timem:s21], [sflag:s30] =	dma.local [hbm:s17], s20  }
0xb6: {  	_ =	swait.ge [sflag:s30], s20  }
0xb7: {  	s22 =	ssub.s32 $0x0, s20;
	[sflag:s30] =	ssyncset.done $0x0  }
0xb8: {  	[sflag:s30] =	ssyncadd.s32 s22;
	_ =	sdelay $0x1  }
0xb9: {  	s23 =	simm.s32 $0x1B8B  }
0xba: {  	_ =	swait.ge [sflag:s23], $0x1  }
0xbb: {  	[sflag:s23] =	ssyncset.done $0x0  }
0xbc: {  	s25 =	simm.s32 $0x1B8E;
	s24 =	sld [smem:$0x3FFE];
	[sflag:s23] =	ssyncadd.s32 $0xFFFFFFFF  }
0xbd: {  	s26 =	simm.s32 $execute0_lowered;
	[smem:$0x3FD2] =	sst s25  }
0xbe: {  	s18 =	sshll.u32 s26, $0x1;
	_ =	strace $0x80000046;
	[dreg:$0x1] =	wrdreg $0xFFFFFFFF  }
0xbf: {  	s16 =	sadd.s32 s16, s18;
	s28 =	simm.s32 $_size_execute0_lowered;
	[dreg:$0x0] =	wrdreg $0x0  }
0xc0: {  	s18 =	sshll.u32 s28, $0x1;
	[dreg:$0x2] =	wrdreg s16  }
0xc1: {  	[dreg:$0x3] =	wrdreg s18  }
0xc2: {  	[dreg:$0x4] =	wrdreg $0xC0  }
0xc3: {  	_ =	task [dreg:s21], $0x5FFFF  }
0xc4: {  	[dreg:$0x1] =	wrdreg $0xFFFFFFFF  }
0xc5: {  	[dreg:$0x0] =	wrdreg $0x30  }
0xc6: {  	[dreg:$0x2] =	wrdreg $0x0  }
0xc7: {  	[dreg:$0x3] =	wrdreg $0x9  }
0xc8: {  	_ =	task [dreg:s21], $0x4FFFF  }
0xc9: {  	[dreg:$0x1] =	wrdreg $0xFFFFFFFF  }
0xca: {  	[dreg:$0x0] =	wrdreg $0x60  }
0xcb: {  	[dreg:$0x2] =	wrdreg s24  }
0xcc: {  	[dreg:$0x3] =	wrdreg s3  }
0xcd: {  	[dreg:$0x4] =	wrdreg s7  }
0xce: {  	[dreg:$0x5] =	wrdreg s4  }
0xcf: {  	[dreg:$0x6] =	wrdreg s5  }
0xd0: {  	[dreg:$0x7] =	wrdreg s13  }
0xd1: {  	[dreg:$0x8] =	wrdreg s10  }
0xd2: {  	[dreg:$0x9] =	wrdreg s14  }
0xd3: {  	[dreg:$0xa] =	wrdreg s9  }
0xd4: {  	[dreg:$0xb] =	wrdreg s6  }
0xd5: {  	[dreg:$0xc] =	wrdreg s12  }
0xd6: {  	[dreg:$0xd] =	wrdreg s8  }
0xd7: {  	[dreg:$0xe] =	wrdreg s2  }
0xd8: {  	[dreg:$0xf] =	wrdreg s11  }
0xd9: {  	_ =	task.clear_ibuf [dreg:s21], $0x10FFFF;
	_ =	strace $0x90000046  }
0xda: {  	s29 =	simm.s32 $0x9;
	_ =	strace $0x80000048  }
0xdb: {  	_ =	swait.ge [sflag:s29], $0x1  }
0xdc: {  	[sflag:s29] =	ssyncadd.s32 $0xFFFFFFFF  }
0xdd: {  	_ =	strace $0x90000048  }
0xde: {  	_ =	sfence  }
0xdf: {  	s30 =	sld [smem:$0x0];
	_ =	sdelay $0x2  }
0xe0: {  	s31 =	sshll.u32 s1, $0xD;
	s1 =	sshrl.u32 s1, $0x2  }
0xe1: {  	s3 =	sand.u32 $0x4000, s31;
	s1 =	sadd.s32 s1, s30  }
0xe2: {  	s0 =	sor.u32 s3, s0;
	s1 =	sshll.u32 s1, $0x11  }
0xe3: {  	s0 =	sor.u32 s1, s0  }
0xe4: {  	s0 =	sadd.s32 $0x8F2B, s0  }
0xe5: {  	[sflag:s0] =	ssyncadd.remote.s32 $0x1  }
0xe6: {  	_ =	sfence.sel $0xFFFF  }
0xe7: {  	[dreg:$0x0] =	wrdreg $0xFFFFFFFF;
	(pc) =	sbr.abs _section_cstart, $3  }
0xe8: {  	[dreg:$0x1] =	wrdreg $0xFFFFFFFF  }
0xe9: {  	_ =	task.clear_ibuf [dreg:s21], $0x2FFFF;
	_ =	strace $0x9FFFFFFF  }
0xea: {  	(tm) =	ssettm $0x7FFFFFFF  }
0xeb: {  	_ =	shalt  }
tec
_tile_task_arg_handler_lowered:
.L_overlay_start_1:
0x0: {  	(tag) =	ssettag $0x1  }
0x1: {  	s0 =	rddreg [dreg:$0x0]  }
0x2: {  	s1 =	rddreg [dreg:$0x1]  }
0x3: {  	s2 =	rddreg [dreg:$0x2]  }
0x4: {  	s3 =	rddreg [dreg:$0x3]  }
0x5: {  	s4 =	rddreg [dreg:$0x4]  }
0x6: {  	s5 =	rddreg [dreg:$0x5]  }
0x7: {  	s6 =	rddreg [dreg:$0x6]  }
0x8: {  	s7 =	rddreg [dreg:$0x7]  }
0x9: {  	s8 =	rddreg [dreg:$0x8]  }
0xa: {  	s9 =	rddreg [dreg:$0x9]  }
0xb: {  	s10 =	rddreg [dreg:$0xa]  }
0xc: {  	s11 =	rddreg [dreg:$0xb]  }
0xd: {  	s12 =	rddreg [dreg:$0xc]  }
0xe: {  	s13 =	rddreg [dreg:$0xd]  }
0xf: {  	[smem:s0] =	sst s1  }
0x10: {  	[smem:s0+$0x1] =	sst s2  }
0x11: {  	[smem:s0+$0x2] =	sst s3  }
0x12: {  	[smem:s0+$0x3] =	sst s4  }
0x13: {  	[smem:s0+$0x4] =	sst s5  }
0x14: {  	[smem:s0+$0x5] =	sst s6  }
0x15: {  	[smem:s0+$0x6] =	sst s7  }
0x16: {  	[smem:s0+$0x7] =	sst s8  }
0x17: {  	[smem:s0+$0x8] =	sst s9  }
0x18: {  	[smem:s0+$0x9] =	sst s10  }
0x19: {  	[smem:s0+$0xA] =	sst s11  }
0x1a: {  	[smem:s0+$0xB] =	sst s12  }
0x1b: {  	[smem:s0+$0xC] =	sst s13;
	_ =	shalt  }
.Lfunc_end2:
execute0_lowered:
.L_overlay_start_2:
0x1c: {  	(tag) =	ssettag $0x2  }
0x1d: {  	s2 =	rddreg [dreg:$0x0]  }
0x1e: {  	s0 =	rddreg [dreg:$0x1]  }
0x1f: {  	s1 =	rddreg [dreg:$0x2]  }
0x20: {  	s3 =	rddreg [dreg:$0x5]  }
0x21: {  	s4 =	rddreg [dreg:$0x6]  }
0x22: {  	s5 =	rddreg [dreg:$0x7]  }
0x23: {  	s6 =	rddreg [dreg:$0x8]  }
0x24: {  	s7 =	rddreg [dreg:$0x9]  }
0x25: {  	s9 =	rddreg [dreg:$0xa]  }
0x26: {  	s10 =	rddreg [dreg:$0xb]  }
0x27: {  	s11 =	rddreg [dreg:$0xc]  }
0x28: {  	s12 =	rddreg [dreg:$0xd];
	s8 =	simm.s32 $0x0;
	s13 =	srdreg.scid  }
0x29: {  	s20 =	stileid.u32;
	s28 =	simm.s32 $0x6;
	[smem:$0x7FF] =	sst s8  }
0x2a: {  	s29 =	simm.s32 $0x7;
	s13 =	sand.u32 $0x1, s13;
	s14 =	sld [smem:$0x0]  }
0x2b: {  	s30 =	simm.s32 $0x8;
	s31 =	simm.s32 $0xE;
	s16 =	ssub.s32 $0x2, s13  }
0x2c: {  	s22 =	sshll.u32 s20, $0x1;
	s15 =	sadd.s32 $0xE00, s2;
	s19 =	sshrl.u32 s16, $0x1  }
0x2d: {  	s16 =	ssub.s32 s16, s19;
	[dreg:$0xe] =	wrdreg s14;
	s14 =	sor.u32 s13, s22  }
0x2e: {  	_ =	strace $0x80000047;
	s17 =	sshll.u32 s14, $0x5;
	s25 =	sshll.u32 s14, $0x9  }
0x2f: {  	s18 =	sshll.u32 s14, $0x2;
	s24 =	sshll.u32 s14, $0xA;
	s6 =	sadd.s32 s6, s25  }
0x30: {  	s17 =	sor.u32 $0x40000, s17;
	s26 =	sadd.s32 s7, s25;
	[dreg:$0x11] =	wrdreg s6  }
0x31: {  	s2 =	sadd.s32 s18, s2;
	s7 =	sadd.s32 s9, s25;
	[dreg:$0x12] =	wrdreg s26  }
0x32: {  	s9 =	sadd.s32 s10, s25;
	s10 =	sshll.u32 s20, $0x12;
	[dreg:$0x13] =	wrdreg s7  }
0x33: {  	s11 =	sadd.s32 s11, s25;
	s12 =	sadd.s32 s12, s25;
	[dreg:$0x14] =	wrdreg s9  }
0x34: {  	s25 =	smax.u32 s16, $0x1;
	s23 =	sshrl.u32 s17, $0x3;
	[dreg:$0x15] =	wrdreg s11  }
0x35: {  	[dreg:$0x16] =	wrdreg s12;
	s19 =	sadd.s32 s10, s4;
	s6 =	sadd.s32 s10, s3  }
0x36: {  	s21 =	sadd.s32 $0xC00, s2;
	s2 =	sadd.s32 $0xA00, s2;
	[dreg:$0x1f] =	wrdreg s25  }
0x37: {  	s22 =	sshll.u32 s17, $0x4;
	s9 =	simm.s32 $0xA;
	[dreg:$0x19] =	wrdreg s21  }
0x38: {  	s11 =	simm.s32 $0xB;
	s18 =	sadd.s32 s15, s23;
	[dreg:$0x1a] =	wrdreg s2  }
0x39: {  	s12 =	simm.s32 $0xC;
	s15 =	sadd.s32 s15, s24;
	[dreg:$0xf] =	wrdreg s18  }
0x3a: {  	s17 =	simm.s32 $0xF;
	s23 =	sshll.u32 s14, $0x11;
	[dreg:$0x10] =	wrdreg s15  }
0x3b: {  	s3 =	sadd.s32 s3, s22;
	s24 =	sadd.s32 s4, s22;
	[dreg:$0x1b] =	wrdreg s23  }
0x3c: {  	s2 =	sadd.s32 s5, s22;
	s22 =	simm.s32 $0x11;
	[dreg:$0x1c] =	wrdreg s3  }
0x3d: {  	s4 =	simm.s32 $0x0;
	s15 =	sadd.s32 s10, s5;
	[dreg:$0x1d] =	wrdreg s24  }
0x3e: {  	s18 =	sshll.u32 s13, $0x11;
	[dreg:$0x1e] =	wrdreg s2;
	s13 =	simm.s32 $0x40  }
.Ltmp0:
0x3f: {  	s3 =	simm.s32 $0x140;
	s23 =	simm.s32 $0x180;
	(pc) =	sbr.rel .LBB3_1-.Ltmp0, $4  }
0x40: {  	s2 =	simm.s32 $0x9;
	s7 =	sadd.s32 s18, s15;
	s20 =	sadd.s32 s18, s19  }
0x41: {  	s6 =	sadd.s32 s18, s6;
	s18 =	simm.s32 $0x10;
	[dreg:$0x17] =	wrdreg s7  }
0x42: {  	[dreg:$0x18] =	wrdreg s20;
	s26 =	sadd.s32 $0x1C00, s6;
	s20 =	simm.s32 $0xC000  }
0x43: {  	s6 =	simm.s32 $0xD;
	[smem:$0x7FD] =	sst s26;
	s26 =	simm.s32 $0x5  }
.LBB3_7:
0x44: {  	_ =	swait.ge [sflag:s9], $0x2000  }
0x45: {  	[sflag:s9] =	ssyncset.done $0x0  }
0x46: {  	[sflag:s9] =	ssyncadd.s32 $0xFFFFE000  }
0x47: {  	_ =	swait.ge [sflag:s11], $0x2000  }
0x48: {  	[sflag:s11] =	ssyncset.done $0x0  }
0x49: {  	[sflag:s11] =	ssyncadd.s32 $0xFFFFE000  }
0x4a: {  	_ =	swait.ge [sflag:s12], $0x2000  }
0x4b: {  	[sflag:s12] =	ssyncset.done $0x0  }
0x4c: {  	[sflag:s12] =	ssyncadd.s32 $0xFFFFE000  }
0x4d: {  	_ =	swait.ge [sflag:s6], $0x2000  }
0x4e: {  	[sflag:s6] =	ssyncset.done $0x0  }
0x4f: {  	[sflag:s6] =	ssyncadd.s32 $0xFFFFE000  }
0x50: {  	_ =	swait.ge [sflag:s31], $0x2000  }
0x51: {  	[sflag:s31] =	ssyncset.done $0x0  }
0x52: {  	[sflag:s31] =	ssyncadd.s32 $0xFFFFE000  }
0x53: {  	_ =	swait.ge [sflag:s17], $0x2000  }
0x54: {  	[sflag:s17] =	ssyncset.done $0x0  }
0x55: {  	[sflag:s17] =	ssyncadd.s32 $0xFFFFE000  }
0x56: {  	_ =	swait.ge [sflag:s18], $0x2000  }
0x57: {  	[sflag:s18] =	ssyncset.done $0x0  }
0x58: {  	[sflag:s18] =	ssyncadd.s32 $0xFFFFE000  }
0x59: {  	_ =	swait.ge [sflag:s22], $0x1000  }
0x5a: {  	[sflag:s22] =	ssyncset.done $0x0  }
0x5b: {  	[sflag:s22] =	ssyncadd.s32 $0xFFFFF000  }
0x5c: {  	_ =	swait.ge [sflag:s22], $0x1000  }
0x5d: {  	[sflag:s22] =	ssyncset.done $0x0  }
0x5e: {  	[sflag:s22] =	ssyncadd.s32 $0xFFFFF000  }
0x5f: {  	_ =	swait.ge [sflag:s22], $0x1000  }
0x60: {  	[sflag:s22] =	ssyncset.done $0x0  }
0x61: {  	[sflag:s22] =	ssyncadd.s32 $0xFFFFF000  }
0x62: {  	_ =	swait.ge [sflag:s22], $0x1000  }
0x63: {  	[sflag:s22] =	ssyncset.done $0x0  }
0x64: {  	[sflag:s22] =	ssyncadd.s32 $0xFFFFF000  }
0x65: {  	_ =	swait.ge [sflag:s22], $0x1000  }
0x66: {  	[sflag:s22] =	ssyncset.done $0x0  }
0x67: {  	[sflag:s22] =	ssyncadd.s32 $0xFFFFF000  }
0x68: {  	_ =	swait.ge [sflag:s22], $0x1000  }
0x69: {  	[sflag:s22] =	ssyncset.done $0x0  }
0x6a: {  	s15 =	simm.s32 $0x12180;
	s14 =	rddreg [dreg:$0x1c];
	[sflag:s22] =	ssyncadd.s32 $0xFFFFF000  }
0x6b: {  	[hbm4b:s14+s8] =	stream.linear.scatter [tilespmem:s15], [sflag:$0x12], $0x1000, $0x38;
	[tilespmem:$0x18180] =	vst v63  }
0x6c: {  	s24 =	simm.s32 $0x13180;
	s21 =	rddreg [dreg:$0x1d]  }
0x6d: {  	[hbm4b:s21+s8] =	stream.linear.scatter [tilespmem:s24], [sflag:$0x12], $0x1000, $0x38;
	[tilespmem:$0x18180] =	vst v63  }
0x6e: {  	s25 =	rddreg [dreg:$0x1e]  }
0x6f: {  	[hbm4b:s25+s8] =	stream.linear.scatter [tilespmem:s24], [sflag:$0x12], $0x1000, $0x38;
	[tilespmem:$0x18180] =	vst v63  }
0x70: {  	s4 =	simm.s32 $0x14180;
	s3 =	rddreg [dreg:$0x11]  }
0x71: {  	[hbm4b:s3+s8] =	stream.linear.scatter [tilespmem:s4], [sflag:$0x12], $0x1000, $0x38;
	[tilespmem:$0x18180] =	vst v63  }
0x72: {  	s7 =	simm.s32 $0x15180;
	s5 =	rddreg [dreg:$0x12]  }
0x73: {  	[hbm4b:s5+s8] =	stream.linear.scatter [tilespmem:s7], [sflag:$0x12], $0x1000, $0x38;
	[tilespmem:$0x18180] =	vst v63  }
0x74: {  	s10 =	rddreg [dreg:$0x13]  }
0x75: {  	[hbm4b:s10+s8] =	stream.linear.scatter [tilespmem:s7], [sflag:$0x12], $0x1000, $0x38;
	[tilespmem:$0x18180] =	vst v63  }
0x76: {  	s16 =	simm.s32 $0x16180;
	s15 =	rddreg [dreg:$0x14]  }
0x77: {  	[hbm4b:s15+s8] =	stream.linear.scatter [tilespmem:s16], [sflag:$0x12], $0x1000, $0x38;
	[tilespmem:$0x18180] =	vst v63  }
0x78: {  	s19 =	rddreg [dreg:$0x15];
	s21 =	simm.s32 $0x17180  }
0x79: {  	[hbm4b:s19+s8] =	stream.linear.scatter [tilespmem:s21], [sflag:$0x12], $0x1000, $0x38;
	[tilespmem:$0x18180] =	vst v63  }
0x7a: {  	s24 =	rddreg [dreg:$0x16];
	s3 =	simm.s32 $0x12  }
0x7b: {  	[hbm4b:s24+s8] =	stream.linear.scatter [tilespmem:s21], [sflag:$0x12], $0x1000, $0x38;
	[tilespmem:$0x18180] =	vst v63  }
0x7c: {  	_ =	swait.ge [sflag:s3], $0x1000  }
0x7d: {  	[sflag:s3] =	ssyncset.done $0x0  }
0x7e: {  	[sflag:s3] =	ssyncadd.s32 $0xFFFFF000  }
0x7f: {  	_ =	swait.ge [sflag:s3], $0x1000  }
0x80: {  	[sflag:s3] =	ssyncset.done $0x0  }
0x81: {  	[sflag:s3] =	ssyncadd.s32 $0xFFFFF000  }
0x82: {  	_ =	swait.ge [sflag:s3], $0x1000  }
0x83: {  	[sflag:s3] =	ssyncset.done $0x0  }
0x84: {  	[sflag:s3] =	ssyncadd.s32 $0xFFFFF000  }
0x85: {  	_ =	swait.ge [sflag:s3], $0x1000  }
0x86: {  	[sflag:s3] =	ssyncset.done $0x0  }
0x87: {  	[sflag:s3] =	ssyncadd.s32 $0xFFFFF000  }
0x88: {  	_ =	swait.ge [sflag:s3], $0x1000  }
0x89: {  	[sflag:s3] =	ssyncset.done $0x0  }
0x8a: {  	[sflag:s3] =	ssyncadd.s32 $0xFFFFF000  }
0x8b: {  	_ =	swait.ge [sflag:s3], $0x1000  }
0x8c: {  	[sflag:s3] =	ssyncset.done $0x0  }
0x8d: {  	[sflag:s3] =	ssyncadd.s32 $0xFFFFF000  }
0x8e: {  	_ =	swait.ge [sflag:s3], $0x1000  }
0x8f: {  	[sflag:s3] =	ssyncset.done $0x0  }
0x90: {  	[sflag:s3] =	ssyncadd.s32 $0xFFFFF000  }
0x91: {  	_ =	swait.ge [sflag:s3], $0x1000  }
0x92: {  	[sflag:s3] =	ssyncset.done $0x0  }
0x93: {  	[sflag:s3] =	ssyncadd.s32 $0xFFFFF000  }
0x94: {  	_ =	swait.ge [sflag:s3], $0x1000  }
0x95: {  	s4 =	sld [smem:$0x7FC];
	_ =	sdelay $0x2  }
0x96: {  	s25 =	rddreg [dreg:$0x1f];
	s4 =	sadd.s32 $0x1, s4  }
0x97: {  	p0 =	sne.s32 s4, s25  }
.Ltmp1:
0x98: {  	_ = 	snop;
	(pc) =	sbr.rel @!p0 .LBB3_8-.Ltmp1, $3  }
0x99: {  	_ =	sdelay $0x1  }
0x9a: {  	[sflag:s3] =	ssyncset.done $0x0  }
0x9b: {  	[sflag:s3] =	ssyncadd.s32 $0xFFFFF000;
	s3 =	simm.s32 $0x140  }
.LBB3_1:
0x9c: {  	[smem:$0x7FC] =	sst s4  }
0x9d: {  	s14 =	rddreg [dreg:$0xf];
	s15 =	simm.s32 $0x12000  }
0x9e: {  	[tilespmem:s15], [sflag:$0x11] =	stream.linear.gather [hbm4b:s14+s8], $0x20, $0x38;
	[tilespmem:$0x18180] =	vst v63  }
0x9f: {  	s21 =	rddreg [dreg:$0x19];
	s19 =	simm.s32 $0x12080  }
0xa0: {  	[tilespmem:s19], [sflag:$0x11] =	stream.linear.gather [hbm4b:s21+s8], $0x20, $0x38;
	[tilespmem:$0x18180] =	vst v63  }
0xa1: {  	s25 =	rddreg [dreg:$0x1a];
	s21 =	simm.s32 $0x12100  }
0xa2: {  	[tilespmem:s21], [sflag:$0x11] =	stream.linear.gather [hbm4b:s25+s8], $0x20, $0x38;
	[tilespmem:$0x18180] =	vst v63  }
0xa3: {  	_ =	swait.ge [sflag:s22], $0x20  }
0xa4: {  	[sflag:s22] =	ssyncset.done $0x0  }
0xa5: {  	[sflag:s22] =	ssyncadd.s32 $0xFFFFFFE0  }
0xa6: {  	_ =	swait.ge [sflag:s22], $0x20  }
0xa7: {  	[sflag:s22] =	ssyncset.done $0x0  }
0xa8: {  	[sflag:s22] =	ssyncadd.s32 $0xFFFFFFE0  }
0xa9: {  	_ =	swait.ge [sflag:s22], $0x20  }
0xaa: {  	[sflag:s22] =	ssyncset.done $0x0  }
0xab: {  	s24 =	simm.s32 $0x12180;
	[sflag:s22] =	ssyncadd.s32 $0xFFFFFFE0;
	s22 =	simm.s32 $0x20  }
0xac: {  	[tilespmem:s24], [sflag:$0x11] =	stream.indirect.gather [hbm4b:s0+s22], $0x80, s15, s22, $0xb8;
	[tilespmem:$0x18180] =	vst v63  }
0xad: {  	s16 =	simm.s32 $0x13180  }
0xae: {  	[tilespmem:s16], [sflag:$0x11] =	stream.indirect.gather [hbm4b:s1+s22], $0x80, s15, s22, $0xb8;
	[tilespmem:$0x18180] =	vst v63  }
0xaf: {  	s10 =	simm.s32 $0x14180  }
0xb0: {  	[tilespmem:s10], [sflag:$0x11] =	stream.indirect.gather [hbm4b:s0+s22], $0x80, s19, s22, $0xb8;
	[tilespmem:$0x18180] =	vst v63  }
0xb1: {  	s7 =	simm.s32 $0x15180  }
0xb2: {  	[tilespmem:s7], [sflag:$0x11] =	stream.indirect.gather [hbm4b:s1+s22], $0x80, s19, s22, $0xb8;
	[tilespmem:$0x18180] =	vst v63  }
0xb3: {  	s5 =	simm.s32 $0x16180;
	s25 =	rddreg [dreg:$0x3]  }
0xb4: {  	[tilespmem:s5], [sflag:$0x11] =	stream.indirect.gather [hbm4b:s25+s22], $0x80, s21, s22, $0xb8;
	[tilespmem:$0x18180] =	vst v63  }
0xb5: {  	s4 =	simm.s32 $0x17180;
	s7 =	rddreg [dreg:$0x4]  }
0xb6: {  	[tilespmem:s4], [sflag:$0x11] =	stream.indirect.gather [hbm4b:s7+s22], $0x80, s21, s22, $0xb8;
	[tilespmem:$0x18180] =	vst v63  }
0xb7: {  	s15 =	simm.s32 $0x13;
	s10 =	rddreg [dreg:$0x10]  }
0xb8: {  	[tilespmem:s8], [sflag:$0x13] =	stream.linear.gather [hbm4b:s10+s8], $0x2000, $0x38;
	[tilespmem:$0x18180] =	vst v63  }
0xb9: {  	_ =	swait.ge [sflag:s15], $0x2000  }
0xba: {  	[sflag:s15] =	ssyncset.done $0x0  }
0xbb: {  	s19 =	simm.s32 $0x2000;
	[sflag:s15] =	ssyncadd.s32 $0xFFFFE000  }
0xbc: {  	[tilespmem:s19], [sflag:$0x1] =	stream.indirect.gather [hbm4b:s1+s13], $0x80, s8, s13, $0xb8;
	[tilespmem:$0x18180] =	vst v63  }
0xbd: {  	s25 =	simm.s32 $0x4000  }
0xbe: {  	[tilespmem:s25], [sflag:$0x2] =	stream.indirect.gather [hbm4b:s1+s13], $0x80, s13, s13, $0xb8;
	[tilespmem:$0x18180] =	vst v63  }
0xbf: {  	s16 =	simm.s32 $0x80;
	s10 =	simm.s32 $0x6000  }
0xc0: {  	[tilespmem:s10], [sflag:$0x3] =	stream.indirect.gather [hbm4b:s1+s13], $0x80, s16, s13, $0xb8;
	[tilespmem:$0x18180] =	vst v63  }
0xc1: {  	s21 =	simm.s32 $0xC0;
	s16 =	simm.s32 $0x8000  }
0xc2: {  	[tilespmem:s16], [sflag:$0x4] =	stream.indirect.gather [hbm4b:s1+s13], $0x80, s21, s13, $0xb8;
	[tilespmem:$0x18180] =	vst v63  }
0xc3: {  	s22 =	simm.s32 $0x100;
	s4 =	simm.s32 $0xA000  }
0xc4: {  	[tilespmem:s4], [sflag:$0x5] =	stream.indirect.gather [hbm4b:s1+s13], $0x80, s22, s13, $0xb8;
	[tilespmem:$0x18180] =	vst v63  }
0xc5: {  	_ = 	snop  }
0xc6: {  	[tilespmem:s20], [sflag:$0x6] =	stream.indirect.gather [hbm4b:s1+s13], $0x80, s3, s13, $0xb8;
	[tilespmem:$0x18180] =	vst v63  }
0xc7: {  	s14 =	simm.s32 $0x0;
	s24 =	simm.s32 $0x1C0;
	s7 =	simm.s32 $0xE000  }
0xc8: {  	[tilespmem:s7], [sflag:$0x7] =	stream.indirect.gather [hbm4b:s1+s13], $0x80, s23, s13, $0xb8;
	[tilespmem:$0x18180] =	vst v63  }
0xc9: {  	s21 =	simm.s32 $0x0;
	s3 =	simm.s32 $0x10000;
	s23 =	simm.s32 $0xC000  }
0xca: {  	[tilespmem:s3], [sflag:$0x8] =	stream.indirect.gather [hbm4b:s1+s13], $0x80, s24, s13, $0xb8;
	[tilespmem:$0x18180] =	vst v63  }
.LBB3_2:
0xcb: {  	s5 =	simm.s32 $0x1  }
0xcc: {  	_ =	swait.ge [sflag:s5], $0x2000  }
0xcd: {  	[sflag:s5] =	ssyncset.done $0x0;
	s15 =	rddreg [dreg:$0x18]  }
0xce: {  	s22 =	rddreg [dreg:$0x17];
	[sflag:s5] =	ssyncadd.s32 $0xFFFFE000;
	s15 =	sadd.s32 s21, s15  }
0xcf: {  	[hbm4b:s15+s8] =	stream.linear.scatter [tilespmem:s19], [sflag:$0x9], $0x2000, $0x38;
	[tilespmem:$0x18180] =	vst v63  }
0xd0: {  	s24 =	simm.s32 $0x2;
	s15 =	sadd.s32 s21, s22  }
0xd1: {  	[hbm4b:s15+s8] =	stream.linear.scatter [tilespmem:s19], [sflag:$0x9], $0x2000, $0x38;
	[tilespmem:$0x18180] =	vst v63  }
0xd2: {  	_ =	swait.ge [sflag:s24], $0x2000  }
0xd3: {  	s20 =	rddreg [dreg:$0x1b];
	[sflag:s24] =	ssyncset.done $0x0  }
0xd4: {  	s15 =	sor.u32 s20, s21;
	[sflag:s24] =	ssyncadd.s32 $0xFFFFE000  }
0xd5: {  	s19 =	sor.u32 $0x400, s15;
	s5 =	rddreg [dreg:$0x6]  }
0xd6: {  	s20 =	rddreg [dreg:$0x7];
	s22 =	sadd.s32 s5, s19  }
0xd7: {  	[hbm4b:s22+s8] =	stream.linear.scatter [tilespmem:s25], [sflag:$0xA], $0x2000, $0x38;
	[tilespmem:$0x18180] =	vst v63  }
0xd8: {  	s19 =	sadd.s32 s20, s19;
	s22 =	simm.s32 $0x3  }
0xd9: {  	[hbm4b:s19+s8] =	stream.linear.scatter [tilespmem:s25], [sflag:$0xA], $0x2000, $0x38;
	[tilespmem:$0x18180] =	vst v63  }
0xda: {  	_ =	swait.ge [sflag:s22], $0x2000  }
0xdb: {  	s19 =	sor.u32 $0x800, s15;
	[sflag:s22] =	ssyncset.done $0x0  }
0xdc: {  	[sflag:s22] =	ssyncadd.s32 $0xFFFFE000;
	s22 =	sadd.s32 s5, s19  }
0xdd: {  	[hbm4b:s22+s8] =	stream.linear.scatter [tilespmem:s10], [sflag:$0xB], $0x2000, $0x38;
	[tilespmem:$0x18180] =	vst v63  }
0xde: {  	s19 =	sadd.s32 s20, s19;
	s22 =	simm.s32 $0x4  }
0xdf: {  	[hbm4b:s19+s8] =	stream.linear.scatter [tilespmem:s10], [sflag:$0xB], $0x2000, $0x38;
	[tilespmem:$0x18180] =	vst v63  }
0xe0: {  	_ =	swait.ge [sflag:s22], $0x2000  }
0xe1: {  	s19 =	sor.u32 $0xC00, s15;
	[sflag:s22] =	ssyncset.done $0x0  }
0xe2: {  	[sflag:s22] =	ssyncadd.s32 $0xFFFFE000;
	s22 =	sadd.s32 s5, s19  }
0xe3: {  	[hbm4b:s22+s8] =	stream.linear.scatter [tilespmem:s16], [sflag:$0xC], $0x2000, $0x38;
	[tilespmem:$0x18180] =	vst v63  }
0xe4: {  	s19 =	sadd.s32 s20, s19  }
0xe5: {  	[hbm4b:s19+s8] =	stream.linear.scatter [tilespmem:s16], [sflag:$0xC], $0x2000, $0x38;
	[tilespmem:$0x18180] =	vst v63  }
0xe6: {  	_ =	swait.ge [sflag:s26], $0x2000  }
0xe7: {  	s19 =	sor.u32 $0x1000, s15;
	[sflag:s26] =	ssyncset.done $0x0  }
0xe8: {  	s22 =	sadd.s32 s5, s19;
	[sflag:s26] =	ssyncadd.s32 $0xFFFFE000  }
0xe9: {  	[hbm4b:s22+s8] =	stream.linear.scatter [tilespmem:s4], [sflag:$0xD], $0x2000, $0x38;
	[tilespmem:$0x18180] =	vst v63  }
0xea: {  	s19 =	sadd.s32 s20, s19  }
0xeb: {  	[hbm4b:s19+s8] =	stream.linear.scatter [tilespmem:s4], [sflag:$0xD], $0x2000, $0x38;
	[tilespmem:$0x18180] =	vst v63  }
0xec: {  	_ =	swait.ge [sflag:s28], $0x2000  }
0xed: {  	s19 =	sor.u32 $0x1400, s15;
	[sflag:s28] =	ssyncset.done $0x0  }
0xee: {  	s22 =	sadd.s32 s5, s19;
	[sflag:s28] =	ssyncadd.s32 $0xFFFFE000  }
0xef: {  	[hbm4b:s22+s8] =	stream.linear.scatter [tilespmem:s23], [sflag:$0xE], $0x2000, $0x38;
	[tilespmem:$0x18180] =	vst v63  }
0xf0: {  	s19 =	sadd.s32 s20, s19  }
0xf1: {  	[hbm4b:s19+s8] =	stream.linear.scatter [tilespmem:s23], [sflag:$0xE], $0x2000, $0x38;
	[tilespmem:$0x18180] =	vst v63  }
0xf2: {  	_ =	swait.ge [sflag:s29], $0x2000  }
0xf3: {  	s19 =	sor.u32 $0x1800, s15;
	[sflag:s29] =	ssyncset.done $0x0  }
0xf4: {  	s22 =	sadd.s32 s5, s19;
	[sflag:s29] =	ssyncadd.s32 $0xFFFFE000  }
0xf5: {  	[hbm4b:s22+s8] =	stream.linear.scatter [tilespmem:s7], [sflag:$0xF], $0x2000, $0x38;
	[tilespmem:$0x18180] =	vst v63  }
0xf6: {  	s19 =	sadd.s32 s20, s19  }
0xf7: {  	[hbm4b:s19+s8] =	stream.linear.scatter [tilespmem:s7], [sflag:$0xF], $0x2000, $0x38;
	[tilespmem:$0x18180] =	vst v63  }
0xf8: {  	_ =	swait.ge [sflag:s30], $0x2000  }
0xf9: {  	s15 =	sor.u32 $0x1C00, s15;
	[sflag:s30] =	ssyncset.done $0x0  }
0xfa: {  	s22 =	sadd.s32 s5, s15;
	[sflag:s30] =	ssyncadd.s32 $0xFFFFE000  }
0xfb: {  	[hbm4b:s22+s8] =	stream.linear.scatter [tilespmem:s3], [sflag:$0x10], $0x2000, $0x38;
	[tilespmem:$0x18180] =	vst v63  }
0xfc: {  	s15 =	sadd.s32 s20, s15  }
0xfd: {  	[hbm4b:s15+s8] =	stream.linear.scatter [tilespmem:s3], [sflag:$0x10], $0x2000, $0x38;
	[tilespmem:$0x18180] =	vst v63  }
0xfe: {  	p0 =	seq.s32 s14, $0x7800;
	_ =	swait.ge [sflag:s2], $0x2000  }
.Ltmp2:
0xff: {  	[sflag:s2] =	ssyncset.done $0x0;
	(pc) =	sbr.rel @p0 .LBB3_4-.Ltmp2, $4  }
0x100: {  	[sflag:s2] =	ssyncadd.s32 $0xFFFFE000  }
0x101: {  	_ =	swait.ge [sflag:s2], $0x2000  }
0x102: {  	s24 =	simm.s32 $0x2000;
	[sflag:s2] =	ssyncset.done $0x0  }
0x103: {  	s20 =	simm.s32 $0xE000;
	s7 =	simm.s32 $0x10000;
	[sflag:s2] =	ssyncadd.s32 $0xFFFFE000  }
0x104: {  	s15 =	sshra.s32 s14, $0x2  }
0x105: {  	s19 =	sadd.s32 $0x200, s15  }
0x106: {  	[tilespmem:s24], [sflag:$0x1] =	stream.indirect.gather [hbm4b:s1+s13], $0x80, s19, s13, $0xb8;
	[tilespmem:$0x18180] =	vst v63  }
0x107: {  	_ =	swait.ge [sflag:s9], $0x2000  }
0x108: {  	[sflag:s9] =	ssyncset.done $0x0  }
0x109: {  	[sflag:s9] =	ssyncadd.s32 $0xFFFFE000  }
0x10a: {  	_ =	swait.ge [sflag:s9], $0x2000  }
0x10b: {  	[sflag:s9] =	ssyncset.done $0x0  }
0x10c: {  	s22 =	sadd.s32 $0x240, s15;
	[sflag:s9] =	ssyncadd.s32 $0xFFFFE000  }
0x10d: {  	[tilespmem:s25], [sflag:$0x2] =	stream.indirect.gather [hbm4b:s1+s13], $0x80, s22, s13, $0xb8;
	[tilespmem:$0x18180] =	vst v63  }
0x10e: {  	_ =	swait.ge [sflag:s11], $0x2000  }
0x10f: {  	[sflag:s11] =	ssyncset.done $0x0  }
0x110: {  	[sflag:s11] =	ssyncadd.s32 $0xFFFFE000  }
0x111: {  	_ =	swait.ge [sflag:s11], $0x2000  }
0x112: {  	[sflag:s11] =	ssyncset.done $0x0  }
0x113: {  	s24 =	sadd.s32 $0x280, s15;
	[sflag:s11] =	ssyncadd.s32 $0xFFFFE000  }
0x114: {  	[tilespmem:s10], [sflag:$0x3] =	stream.indirect.gather [hbm4b:s1+s13], $0x80, s24, s13, $0xb8;
	[tilespmem:$0x18180] =	vst v63  }
0x115: {  	_ =	swait.ge [sflag:s12], $0x2000  }
0x116: {  	[sflag:s12] =	ssyncset.done $0x0  }
0x117: {  	[sflag:s12] =	ssyncadd.s32 $0xFFFFE000  }
0x118: {  	_ =	swait.ge [sflag:s12], $0x2000  }
0x119: {  	[sflag:s12] =	ssyncset.done $0x0  }
0x11a: {  	s3 =	sadd.s32 $0x2C0, s15;
	[sflag:s12] =	ssyncadd.s32 $0xFFFFE000  }
0x11b: {  	[tilespmem:s16], [sflag:$0x4] =	stream.indirect.gather [hbm4b:s1+s13], $0x80, s3, s13, $0xb8;
	[tilespmem:$0x18180] =	vst v63  }
0x11c: {  	_ =	swait.ge [sflag:s6], $0x2000  }
0x11d: {  	[sflag:s6] =	ssyncset.done $0x0  }
0x11e: {  	[sflag:s6] =	ssyncadd.s32 $0xFFFFE000  }
0x11f: {  	_ =	swait.ge [sflag:s6], $0x2000  }
0x120: {  	[sflag:s6] =	ssyncset.done $0x0  }
0x121: {  	s5 =	sadd.s32 $0x300, s15;
	[sflag:s6] =	ssyncadd.s32 $0xFFFFE000  }
0x122: {  	[tilespmem:s4], [sflag:$0x5] =	stream.indirect.gather [hbm4b:s1+s13], $0x80, s5, s13, $0xb8;
	[tilespmem:$0x18180] =	vst v63  }
0x123: {  	_ =	swait.ge [sflag:s31], $0x2000  }
0x124: {  	[sflag:s31] =	ssyncset.done $0x0  }
0x125: {  	[sflag:s31] =	ssyncadd.s32 $0xFFFFE000  }
0x126: {  	_ =	swait.ge [sflag:s31], $0x2000  }
0x127: {  	[sflag:s31] =	ssyncset.done $0x0  }
0x128: {  	s22 =	sadd.s32 $0x340, s15;
	[sflag:s31] =	ssyncadd.s32 $0xFFFFE000  }
0x129: {  	[tilespmem:s23], [sflag:$0x6] =	stream.indirect.gather [hbm4b:s1+s13], $0x80, s22, s13, $0xb8;
	[tilespmem:$0x18180] =	vst v63  }
0x12a: {  	_ =	swait.ge [sflag:s17], $0x2000  }
0x12b: {  	[sflag:s17] =	ssyncset.done $0x0  }
0x12c: {  	[sflag:s17] =	ssyncadd.s32 $0xFFFFE000  }
0x12d: {  	_ =	swait.ge [sflag:s17], $0x2000  }
0x12e: {  	[sflag:s17] =	ssyncset.done $0x0  }
0x12f: {  	s24 =	sadd.s32 $0x380, s15;
	[sflag:s17] =	ssyncadd.s32 $0xFFFFE000  }
0x130: {  	[tilespmem:s20], [sflag:$0x7] =	stream.indirect.gather [hbm4b:s1+s13], $0x80, s24, s13, $0xb8;
	[tilespmem:$0x18180] =	vst v63  }
0x131: {  	_ =	swait.ge [sflag:s18], $0x2000  }
0x132: {  	[sflag:s18] =	ssyncset.done $0x0  }
0x133: {  	[sflag:s18] =	ssyncadd.s32 $0xFFFFE000  }
.Ltmp3:
0x134: {  	_ =	swait.ge [sflag:s18], $0x2000;
	(pc) =	sbr.rel .LBB3_2-.Ltmp3, $4  }
0x135: {  	s14 =	sadd.s32 $0x800, s14;
	[sflag:s18] =	ssyncset.done $0x0  }
0x136: {  	s21 =	sadd.s32 $0x2000, s21;
	s15 =	sadd.s32 $0x3C0, s15;
	[sflag:s18] =	ssyncadd.s32 $0xFFFFE000  }
0x137: {  	[tilespmem:s7], [sflag:$0x8] =	stream.indirect.gather [hbm4b:s1+s13], $0x80, s15, s13, $0xb8;
	[tilespmem:$0x18180] =	vst v63  }
0x138: {  	s19 =	simm.s32 $0x2000;
	s3 =	simm.s32 $0x10000;
	s7 =	simm.s32 $0xE000  }
.LBB3_4:
0x139: {  	_ =	swait.ge [sflag:s9], $0x2000  }
0x13a: {  	[sflag:s9] =	ssyncset.done $0x0  }
0x13b: {  	[sflag:s9] =	ssyncadd.s32 $0xFFFFE000  }
0x13c: {  	_ =	swait.ge [sflag:s9], $0x2000  }
0x13d: {  	[sflag:s9] =	ssyncset.done $0x0  }
0x13e: {  	[sflag:s9] =	ssyncadd.s32 $0xFFFFE000  }
0x13f: {  	_ =	swait.ge [sflag:s11], $0x2000  }
0x140: {  	[sflag:s11] =	ssyncset.done $0x0  }
0x141: {  	[sflag:s11] =	ssyncadd.s32 $0xFFFFE000  }
0x142: {  	_ =	swait.ge [sflag:s11], $0x2000  }
0x143: {  	[sflag:s11] =	ssyncset.done $0x0  }
0x144: {  	[sflag:s11] =	ssyncadd.s32 $0xFFFFE000  }
0x145: {  	_ =	swait.ge [sflag:s12], $0x2000  }
0x146: {  	[sflag:s12] =	ssyncset.done $0x0  }
0x147: {  	[sflag:s12] =	ssyncadd.s32 $0xFFFFE000  }
0x148: {  	_ =	swait.ge [sflag:s12], $0x2000  }
0x149: {  	[sflag:s12] =	ssyncset.done $0x0  }
0x14a: {  	[sflag:s12] =	ssyncadd.s32 $0xFFFFE000  }
0x14b: {  	_ =	swait.ge [sflag:s6], $0x2000  }
0x14c: {  	[sflag:s6] =	ssyncset.done $0x0  }
0x14d: {  	[sflag:s6] =	ssyncadd.s32 $0xFFFFE000  }
0x14e: {  	_ =	swait.ge [sflag:s6], $0x2000  }
0x14f: {  	[sflag:s6] =	ssyncset.done $0x0  }
0x150: {  	[sflag:s6] =	ssyncadd.s32 $0xFFFFE000  }
0x151: {  	_ =	swait.ge [sflag:s31], $0x2000  }
0x152: {  	[sflag:s31] =	ssyncset.done $0x0  }
0x153: {  	[sflag:s31] =	ssyncadd.s32 $0xFFFFE000  }
0x154: {  	_ =	swait.ge [sflag:s31], $0x2000  }
0x155: {  	[sflag:s31] =	ssyncset.done $0x0  }
0x156: {  	[sflag:s31] =	ssyncadd.s32 $0xFFFFE000  }
0x157: {  	_ =	swait.ge [sflag:s17], $0x2000  }
0x158: {  	[sflag:s17] =	ssyncset.done $0x0  }
0x159: {  	[sflag:s17] =	ssyncadd.s32 $0xFFFFE000  }
0x15a: {  	_ =	swait.ge [sflag:s17], $0x2000  }
0x15b: {  	[sflag:s17] =	ssyncset.done $0x0  }
0x15c: {  	[sflag:s17] =	ssyncadd.s32 $0xFFFFE000  }
0x15d: {  	_ =	swait.ge [sflag:s18], $0x2000  }
0x15e: {  	[sflag:s18] =	ssyncset.done $0x0  }
0x15f: {  	[sflag:s18] =	ssyncadd.s32 $0xFFFFE000  }
0x160: {  	_ =	swait.ge [sflag:s18], $0x2000  }
0x161: {  	[sflag:s18] =	ssyncset.done $0x0  }
0x162: {  	s14 =	simm.s32 $0x0;
	[sflag:s18] =	ssyncadd.s32 $0xFFFFE000  }
0x163: {  	[tilespmem:s24], [sflag:$0x1] =	stream.indirect.gather [hbm4b:s0+s13], $0x80, s14, s13, $0xb8;
	[tilespmem:$0x18180] =	vst v63  }
0x164: {  	_ = 	snop  }
0x165: {  	[tilespmem:s25], [sflag:$0x2] =	stream.indirect.gather [hbm4b:s0+s13], $0x80, s13, s13, $0xb8;
	[tilespmem:$0x18180] =	vst v63  }
0x166: {  	s15 =	simm.s32 $0x80  }
0x167: {  	[tilespmem:s10], [sflag:$0x3] =	stream.indirect.gather [hbm4b:s0+s13], $0x80, s15, s13, $0xb8;
	[tilespmem:$0x18180] =	vst v63  }
0x168: {  	s21 =	simm.s32 $0xC0  }
0x169: {  	[tilespmem:s16], [sflag:$0x4] =	stream.indirect.gather [hbm4b:s0+s13], $0x80, s21, s13, $0xb8;
	[tilespmem:$0x18180] =	vst v63  }
0x16a: {  	s22 =	simm.s32 $0x100;
	s3 =	simm.s32 $0x140;
	s5 =	simm.s32 $0xE000  }
0x16b: {  	[tilespmem:s4], [sflag:$0x5] =	stream.indirect.gather [hbm4b:s0+s13], $0x80, s22, s13, $0xb8;
	[tilespmem:$0x18180] =	vst v63  }
0x16c: {  	s19 =	simm.s32 $0x4000;
	s25 =	simm.s32 $0x1C0;
	s10 =	simm.s32 $0x6000  }
0x16d: {  	[tilespmem:s23], [sflag:$0x6] =	stream.indirect.gather [hbm4b:s0+s13], $0x80, s3, s13, $0xb8;
	[tilespmem:$0x18180] =	vst v63  }
0x16e: {  	s21 =	sld [smem:$0x7FD];
	s16 =	simm.s32 $0x8000;
	s23 =	simm.s32 $0x180  }
0x16f: {  	[tilespmem:s20], [sflag:$0x7] =	stream.indirect.gather [hbm4b:s0+s13], $0x80, s23, s13, $0xb8;
	[tilespmem:$0x18180] =	vst v63  }
0x170: {  	s22 =	simm.s32 $0x11;
	s4 =	simm.s32 $0xA000;
	s20 =	simm.s32 $0xC000  }
0x171: {  	[tilespmem:s7], [sflag:$0x8] =	stream.indirect.gather [hbm4b:s0+s13], $0x80, s25, s13, $0xb8;
	[tilespmem:$0x18180] =	vst v63  }
.LBB3_5:
0x172: {  	s3 =	simm.s32 $0x1  }
0x173: {  	_ =	swait.ge [sflag:s3], $0x2000  }
0x174: {  	[sflag:s3] =	ssyncset.done $0x0  }
0x175: {  	s15 =	sadd.s32 $0xFFFFE400, s21;
	s25 =	simm.s32 $0x2;
	[sflag:s3] =	ssyncadd.s32 $0xFFFFE000  }
0x176: {  	[hbm4b:s15+s8] =	stream.linear.scatter [tilespmem:s24], [sflag:$0x9], $0x2000, $0x38;
	[tilespmem:$0x18180] =	vst v63  }
0x177: {  	_ =	swait.ge [sflag:s25], $0x2000  }
0x178: {  	[sflag:s25] =	ssyncset.done $0x0  }
0x179: {  	s3 =	sadd.s32 $0xFFFFE800, s21;
	s15 =	simm.s32 $0x3;
	[sflag:s25] =	ssyncadd.s32 $0xFFFFE000  }
0x17a: {  	[hbm4b:s3+s8] =	stream.linear.scatter [tilespmem:s19], [sflag:$0xA], $0x2000, $0x38;
	[tilespmem:$0x18180] =	vst v63  }
0x17b: {  	_ =	swait.ge [sflag:s15], $0x2000  }
0x17c: {  	[sflag:s15] =	ssyncset.done $0x0  }
0x17d: {  	s25 =	simm.s32 $0x4;
	s19 =	sadd.s32 $0xFFFFEC00, s21;
	[sflag:s15] =	ssyncadd.s32 $0xFFFFE000  }
0x17e: {  	[hbm4b:s19+s8] =	stream.linear.scatter [tilespmem:s10], [sflag:$0xB], $0x2000, $0x38;
	[tilespmem:$0x18180] =	vst v63  }
0x17f: {  	_ =	swait.ge [sflag:s25], $0x2000  }
0x180: {  	[sflag:s25] =	ssyncset.done $0x0  }
0x181: {  	s10 =	sadd.s32 $0xFFFFF000, s21;
	[sflag:s25] =	ssyncadd.s32 $0xFFFFE000  }
0x182: {  	[hbm4b:s10+s8] =	stream.linear.scatter [tilespmem:s16], [sflag:$0xC], $0x2000, $0x38;
	[tilespmem:$0x18180] =	vst v63  }
0x183: {  	_ =	swait.ge [sflag:s26], $0x2000  }
0x184: {  	[sflag:s26] =	ssyncset.done $0x0  }
0x185: {  	s16 =	sadd.s32 $0xFFFFF400, s21;
	[sflag:s26] =	ssyncadd.s32 $0xFFFFE000  }
0x186: {  	[hbm4b:s16+s8] =	stream.linear.scatter [tilespmem:s4], [sflag:$0xD], $0x2000, $0x38;
	[tilespmem:$0x18180] =	vst v63  }
0x187: {  	_ =	swait.ge [sflag:s28], $0x2000  }
0x188: {  	[sflag:s28] =	ssyncset.done $0x0  }
0x189: {  	s19 =	sadd.s32 $0xFFFFF800, s21;
	[sflag:s28] =	ssyncadd.s32 $0xFFFFE000  }
0x18a: {  	[hbm4b:s19+s8] =	stream.linear.scatter [tilespmem:s20], [sflag:$0xE], $0x2000, $0x38;
	[tilespmem:$0x18180] =	vst v63  }
0x18b: {  	_ =	swait.ge [sflag:s29], $0x2000  }
0x18c: {  	[sflag:s29] =	ssyncset.done $0x0  }
0x18d: {  	s25 =	sadd.s32 $0xFFFFFC00, s21;
	[sflag:s29] =	ssyncadd.s32 $0xFFFFE000  }
0x18e: {  	[hbm4b:s25+s8] =	stream.linear.scatter [tilespmem:s5], [sflag:$0xF], $0x2000, $0x38;
	[tilespmem:$0x18180] =	vst v63  }
0x18f: {  	_ =	swait.ge [sflag:s30], $0x2000  }
0x190: {  	p0 =	seq.s32 s14, $0x7800;
	[sflag:s30] =	ssyncset.done $0x0  }
.Ltmp4:
0x191: {  	[sflag:s30] =	ssyncadd.s32 $0xFFFFE000;
	(pc) =	sbr.rel @p0 .LBB3_7-.Ltmp4, $4  }
0x192: {  	[hbm4b:s21+s8] =	stream.linear.scatter [tilespmem:s7], [sflag:$0x10], $0x2000, $0x38;
	[tilespmem:$0x18180] =	vst v63  }
0x193: {  	_ =	swait.ge [sflag:s2], $0x2000  }
0x194: {  	s10 =	simm.s32 $0x6000;
	s16 =	simm.s32 $0x8000;
	[sflag:s2] =	ssyncset.done $0x0  }
0x195: {  	s4 =	simm.s32 $0xA000;
	s25 =	simm.s32 $0x4000;
	[sflag:s2] =	ssyncadd.s32 $0xFFFFE000  }
0x196: {  	s15 =	sshra.s32 s14, $0x2  }
0x197: {  	s19 =	sadd.s32 $0x200, s15  }
0x198: {  	[tilespmem:s24], [sflag:$0x1] =	stream.indirect.gather [hbm4b:s0+s13], $0x80, s19, s13, $0xb8;
	[tilespmem:$0x18180] =	vst v63  }
0x199: {  	_ =	swait.ge [sflag:s9], $0x2000  }
0x19a: {  	[sflag:s9] =	ssyncset.done $0x0  }
0x19b: {  	s3 =	sadd.s32 $0x240, s15;
	[sflag:s9] =	ssyncadd.s32 $0xFFFFE000  }
0x19c: {  	[tilespmem:s25], [sflag:$0x2] =	stream.indirect.gather [hbm4b:s0+s13], $0x80, s3, s13, $0xb8;
	[tilespmem:$0x18180] =	vst v63  }
0x19d: {  	_ =	swait.ge [sflag:s11], $0x2000  }
0x19e: {  	[sflag:s11] =	ssyncset.done $0x0  }
0x19f: {  	s25 =	sadd.s32 $0x280, s15;
	[sflag:s11] =	ssyncadd.s32 $0xFFFFE000  }
0x1a0: {  	[tilespmem:s10], [sflag:$0x3] =	stream.indirect.gather [hbm4b:s0+s13], $0x80, s25, s13, $0xb8;
	[tilespmem:$0x18180] =	vst v63  }
0x1a1: {  	_ =	swait.ge [sflag:s12], $0x2000  }
0x1a2: {  	[sflag:s12] =	ssyncset.done $0x0  }
0x1a3: {  	s3 =	sadd.s32 $0x2C0, s15;
	[sflag:s12] =	ssyncadd.s32 $0xFFFFE000  }
0x1a4: {  	[tilespmem:s16], [sflag:$0x4] =	stream.indirect.gather [hbm4b:s0+s13], $0x80, s3, s13, $0xb8;
	[tilespmem:$0x18180] =	vst v63  }
0x1a5: {  	_ =	swait.ge [sflag:s6], $0x2000  }
0x1a6: {  	[sflag:s6] =	ssyncset.done $0x0  }
0x1a7: {  	s10 =	sadd.s32 $0x300, s15;
	[sflag:s6] =	ssyncadd.s32 $0xFFFFE000  }
0x1a8: {  	[tilespmem:s4], [sflag:$0x5] =	stream.indirect.gather [hbm4b:s0+s13], $0x80, s10, s13, $0xb8;
	[tilespmem:$0x18180] =	vst v63  }
0x1a9: {  	_ =	swait.ge [sflag:s31], $0x2000  }
0x1aa: {  	[sflag:s31] =	ssyncset.done $0x0  }
0x1ab: {  	s16 =	sadd.s32 $0x340, s15;
	[sflag:s31] =	ssyncadd.s32 $0xFFFFE000  }
0x1ac: {  	[tilespmem:s20], [sflag:$0x6] =	stream.indirect.gather [hbm4b:s0+s13], $0x80, s16, s13, $0xb8;
	[tilespmem:$0x18180] =	vst v63  }
0x1ad: {  	_ =	swait.ge [sflag:s17], $0x2000  }
0x1ae: {  	[sflag:s17] =	ssyncset.done $0x0  }
0x1af: {  	s25 =	sadd.s32 $0x380, s15;
	[sflag:s17] =	ssyncadd.s32 $0xFFFFE000  }
0x1b0: {  	[tilespmem:s5], [sflag:$0x7] =	stream.indirect.gather [hbm4b:s0+s13], $0x80, s25, s13, $0xb8;
	[tilespmem:$0x18180] =	vst v63  }
.Ltmp5:
0x1b1: {  	s14 =	sadd.s32 $0x800, s14;
	(pc) =	sbr.rel .LBB3_5-.Ltmp5, $4  }
0x1b2: {  	s21 =	sadd.s32 $0x2000, s21;
	s19 =	simm.s32 $0x4000;
	_ =	swait.ge [sflag:s18], $0x2000  }
0x1b3: {  	s15 =	sadd.s32 $0x3C0, s15;
	s10 =	simm.s32 $0x6000;
	[sflag:s18] =	ssyncset.done $0x0  }
0x1b4: {  	s4 =	simm.s32 $0xA000;
	s16 =	simm.s32 $0x8000;
	[sflag:s18] =	ssyncadd.s32 $0xFFFFE000  }
0x1b5: {  	[tilespmem:s7], [sflag:$0x8] =	stream.indirect.gather [hbm4b:s0+s13], $0x80, s15, s13, $0xb8;
	[tilespmem:$0x18180] =	vst v63  }
.LBB3_8:
0x1b6: {  	_ =	sfence.sel $0x180000  }
0x1b7: {  	[bflag:$0x0] =	sbarrier.arrive $0xFFFF  }
0x1b8: {  	_ =	strace $0x90000047  }
0x1b9: {  	s0 =	stileid.u32;
	[bflag:$0x2] =	sbarrier.arrive $0xFFFF  }
0x1ba: {  	p0 =	sne.s32 s0, $0x0;
	s0 =	rddreg [dreg:$0xe]  }
0x1bb: {  	s0 =	sadd.s32 @!p0 $0x100000, s0  }
0x1bc: {  	[sflag:s0] =	ssyncadd.tile.s32 @!p0 $0x1;
	_ =	shalt  }
.Lfunc_end3:
_tile_overlayer_lowered:
.L_overlay_start_3:
0x1bd: {  	(tag) =	ssettag $0x3  }
0x1be: {  	s0 =	rddreg [dreg:$0x0];
	s2 =	stileid.u32  }
0x1bf: {  	s1 =	rddreg [dreg:$0x1];
	p0 =	sne.s32 s2, $0x0  }
0x1c0: {  	s3 =	rddreg [dreg:$0x2];
	[bflag:$0x3] =	sbarrier.arrive $0xFFFF;
	s2 =	simm.s32 @!p0 $0x1C13  }
0x1c1: {  	[timem:s3], [sflag:s2] =	dma.local @!p0 [hbm:s0], s1  }
0x1c2: {  	s0 =	simm.s32 @!p0 $0x13  }
0x1c3: {  	_ =	swait.ge @!p0 [sflag:s0], s1  }
0x1c4: {  	s1 =	ssub.s32 @!p0 $0x0, s1;
	[sflag:s0] =	ssyncset.done @!p0 $0x0  }
0x1c5: {  	[sflag:s0] =	ssyncadd.s32 @!p0 s1  }
0x1c6: {  	[bflag:$0x3] =	sbarrier.arrive $0xFFFF  }
0x1c7: {  	_ =	shalt  }

</sc_bundles>
